<compile_context>
chip_gen: v7x
topology: tpu7x:2x2x1
jax: 0.10.2.dev20260603
libtpu: 0.0.44.dev20260713+nightly
codegen_flags: <defaults>
</compile_context>

<pallas_src>
import numpy as np

import jax
import jax.numpy as jnp
from jax import lax
from jax.experimental import pallas as pl
from jax.experimental.pallas import tpu as pltpu
from jax.experimental.pallas import tpu_sc as plsc

_B, _C, _H, _W = 64, 384, 28, 28
_HW = _H * _W
_N = _C * _HW
_K = int(0.1 * _N)
_TARGET = float(np.float32(_K / _N))

_NW = 32
_ROWS_PER_W = _B // _NW
_NCHUNK = 16
_SLABS = _HW // _NCHUNK
_CVREG = _C // 16
_NBIN = 4096
_NGRP = _NBIN // 16
_BANDCAP = 1024


def _key_of(bv):
    b = plsc.bitcast(bv, jnp.int32)
    return b ^ ((b >> jnp.int32(31)) & jnp.int32(0x7FFFFFFF))


def _sc_body(x_hbm, duty_hbm, out_hbm, xb0, xb1, hist, band, totals, bfl,
             dbuf, gsum, isem0, isem1, osem0, osem1):
    lanes = lax.iota(jnp.int32, 16)
    wid = lax.axis_index("s") * 2 + lax.axis_index("c")

    pltpu.sync_copy(duty_hbm, dbuf)
    def _bf_step(i, _):
        v = dbuf[pl.ds(i * 16, 16)]
        bfl[pl.ds(i * 16, 16)] = jnp.exp(jnp.float32(_TARGET) - v)
        return 0
    lax.fori_loop(0, _C // 16, _bf_step, 0)

    def _row_body(r, _):
        row = wid * _ROWS_PER_W + r

        def src(c):
            return x_hbm.at[pl.ds(c * _SLABS, _SLABS), pl.ds(row, 1), :]

        def dst(c):
            return out_hbm.at[pl.ds(c * _SLABS, _SLABS), pl.ds(row, 1), :]

        @plsc.parallel_loop(0, _NBIN, unroll=8)
        def _zero(i):
            hist[pl.ds(i * 16, 16)] = jnp.zeros((16,), jnp.int32)

        def _p1_process(buf):
            def _p1_cv(cv, _):
                bfv = bfl[pl.ds(cv * 16, 16)]
                @plsc.parallel_loop(0, _SLABS, unroll=7)
                def _p1_s(s):
                    xv = buf[s, 0, pl.ds(cv * 16, 16)]
                    key = _key_of(xv * bfv)
                    binv = (key >> jnp.int32(20)) + jnp.int32(2048)
                    idx = lanes * jnp.int32(_NBIN) + binv
                    plsc.addupdate_scatter(hist, [idx],
                                           jnp.full((16,), 1, jnp.int32))
                return 0
            lax.fori_loop(0, _CVREG, _p1_cv, 0)

        pltpu.async_copy(src(0), xb0, isem0)
        def _p1_pair(cc, _):
            c0 = cc * 2
            pltpu.async_copy(src(c0 + 1), xb1, isem1)
            pltpu.make_async_copy(src(c0), xb0, isem0).wait()
            _p1_process(xb0)
            @pl.when(cc < _NCHUNK // 2 - 1)
            def _():
                pltpu.async_copy(src(c0 + 2), xb0, isem0)
            pltpu.make_async_copy(src(c0 + 1), xb1, isem1).wait()
            _p1_process(xb1)
            return 0
        lax.fori_loop(0, _NCHUNK // 2, _p1_pair, 0)

        pltpu.async_copy(src(0), xb0, isem0)

        @plsc.parallel_loop(0, _NGRP, unroll=2)
        def _tot(g):
            def _tl(l, acc):
                return acc + hist[pl.ds(l * _NBIN + g * 16, 16)]
            acc = lax.fori_loop(0, 16, _tl, jnp.zeros((16,), jnp.int32),
                                unroll=16)
            totals[pl.ds(g * 16, 16)] = acc
            gsum[g] = jnp.sum(acc)

        def _scan(i, carry):
            found, cum, gstar, cumstar = carry
            g = jnp.int32(_NGRP - 1) - i
            s = gsum[g]
            crosses = jnp.logical_and(jnp.logical_not(found), cum + s >= _K)
            gstar = jnp.where(crosses, g, gstar)
            cumstar = jnp.where(crosses, cum, cumstar)
            cum = jnp.where(found | crosses, cum, cum + s)
            found = found | crosses
            return found, cum, gstar, cumstar
        _, _, gstar, cumstar = lax.fori_loop(
            0, _NGRP, _scan,
            (jnp.bool_(False), jnp.int32(0), jnp.int32(0), jnp.int32(0)))

        t = totals[pl.ds(gstar * 16, 16)]
        rv = lax.rev(t, (0,))
        suff = lax.rev(plsc.cumsum(rv), (0,))
        cond = (cumstar + suff) >= _K
        npos = plsc.all_reduce_population_count(cond)
        b_loc = jnp.max(npos) - 1
        b_star = gstar * 16 + b_loc
        mask2 = lanes > b_loc
        cnt_gt = cumstar + jnp.sum(jnp.where(mask2, t, jnp.int32(0)))
        bin_hi = b_star - jnp.int32(2048)

        def _p3_process(buf, off_l):
            def _p3_cv(cv, off_l):
                bfv = bfl[pl.ds(cv * 16, 16)]
                def _p3_s(s, off_l):
                    xv = buf[s, 0, pl.ds(cv * 16, 16)]
                    key = _key_of(xv * bfv)
                    inband = (key >> jnp.int32(20)) == bin_hi
                    guard = jnp.logical_and(inband,
                                            off_l < jnp.int32(_BANDCAP))
                    idx = off_l * jnp.int32(16) + lanes
                    plsc.store_scatter(band, [idx], key, mask=guard)
                    return off_l + jnp.where(guard, jnp.int32(1),
                                             jnp.int32(0))
                return plsc.parallel_loop(0, _SLABS, unroll=7,
                                          carry=off_l)(_p3_s)
            return lax.fori_loop(0, _CVREG, _p3_cv, off_l)

        def _p3_pair(cc, off_l):
            c0 = cc * 2
            pltpu.async_copy(src(c0 + 1), xb1, isem1)
            pltpu.make_async_copy(src(c0), xb0, isem0).wait()
            off_l = _p3_process(xb0, off_l)
            @pl.when(cc < _NCHUNK // 2 - 1)
            def _():
                pltpu.async_copy(src(c0 + 2), xb0, isem0)
            pltpu.make_async_copy(src(c0 + 1), xb1, isem1).wait()
            off_l = _p3_process(xb1, off_l)
            return off_l
        off_l = lax.fori_loop(0, _NCHUNK // 2, _p3_pair,
                              jnp.zeros((16,), jnp.int32))
        mj = jnp.max(off_l)

        pltpu.async_copy(src(0), xb0, isem0)
        pltpu.async_copy(src(1), xb1, isem1)

        key_lo = jnp.left_shift(bin_hi, jnp.int32(20))
        def _bit(i, t):
            bit = jnp.int32(19) - i
            cand = t + jnp.left_shift(jnp.int32(1), bit)
            def _cnt(j, acc):
                kv = band[pl.ds(j * 16, 16)]
                valid = jnp.logical_and(j < off_l, kv >= cand)
                return acc + jnp.where(valid, jnp.int32(1), jnp.int32(0))
            acc = plsc.parallel_loop(
                0, mj, carry=jnp.zeros((16,), jnp.int32))(_cnt)
            total = cnt_gt + jnp.sum(acc)
            return jnp.where(total >= _K, cand, t)
        thr = lax.fori_loop(0, 20, _bit, key_lo)

        def _p5_process(buf):
            def _p5_cv(cv, _):
                bfv = bfl[pl.ds(cv * 16, 16)]
                @plsc.parallel_loop(0, _SLABS, unroll=7)
                def _p5_s(s):
                    xv = buf[s, 0, pl.ds(cv * 16, 16)]
                    key = _key_of(xv * bfv)
                    buf[s, 0, pl.ds(cv * 16, 16)] = jnp.where(
                        key >= thr, xv, jnp.float32(0.0))
                return 0
            lax.fori_loop(0, _CVREG, _p5_cv, 0)

        def _p5_pair(cc, _):
            c0 = cc * 2
            pltpu.make_async_copy(src(c0), xb0, isem0).wait()
            _p5_process(xb0)
            pltpu.async_copy(xb0, dst(c0), osem0)
            pltpu.make_async_copy(src(c0 + 1), xb1, isem1).wait()
            _p5_process(xb1)
            pltpu.async_copy(xb1, dst(c0 + 1), osem1)
            @pl.when(cc < _NCHUNK // 2 - 1)
            def _():
                pltpu.make_async_copy(xb0, dst(c0), osem0).wait()
                pltpu.async_copy(src(c0 + 2), xb0, isem0)
                pltpu.make_async_copy(xb1, dst(c0 + 1), osem1).wait()
                pltpu.async_copy(src(c0 + 3), xb1, isem1)
            return 0
        lax.fori_loop(0, _NCHUNK // 2, _p5_pair, 0)
        pltpu.make_async_copy(xb0, dst(_NCHUNK - 2), osem0).wait()
        pltpu.make_async_copy(xb1, dst(_NCHUNK - 1), osem1).wait()
        return 0

    lax.fori_loop(0, _ROWS_PER_W, _row_body, 0)


@jax.jit
def kernel(x, duty_cycles):
    xt = jnp.transpose(x, (2, 3, 0, 1)).reshape(_HW, _B, _C)
    duty = duty_cycles.reshape(_C)
    mesh = plsc.VectorSubcoreMesh(
        core_axis_name="c", subcore_axis_name="s", num_cores=2,
        num_subcores=16)
    out = pl.kernel(
        _sc_body,
        out_type=jax.ShapeDtypeStruct((_HW, _B, _C), jnp.float32),
        mesh=mesh,
        compiler_params=pltpu.CompilerParams(needs_layout_passes=False),
        scratch_types=[
            pltpu.VMEM((_SLABS, 1, _C), jnp.float32),
            pltpu.VMEM((_SLABS, 1, _C), jnp.float32),
            pltpu.VMEM((_NBIN * 16,), jnp.int32),
            pltpu.VMEM((_BANDCAP * 16,), jnp.int32),
            pltpu.VMEM((_NBIN,), jnp.int32),
            pltpu.VMEM((_C,), jnp.float32),
            pltpu.VMEM((_C,), jnp.float32),
            pltpu.SMEM((_NGRP,), jnp.int32),
            pltpu.SemaphoreType.DMA,
            pltpu.SemaphoreType.DMA,
            pltpu.SemaphoreType.DMA,
            pltpu.SemaphoreType.DMA,
        ],
    )(xt, duty)
    return jnp.transpose(out.reshape(_H, _W, _B, _C), (2, 3, 0, 1))

# --- scband reference (transcript-rebuilt; emitter-appended) ---
"""Pipeline reference for scband-kwinners2d-31215822307920 (READ-ONLY COPY).

The authoritative reference and input builder live on the scoring server;
editing this copy changes nothing except your own understanding.
"""

import jax, jax.numpy as jnp
import numpy as np

B, C, H, W = 64, 384, 28, 28
PERCENT_ON = 0.1
BOOST_STRENGTH = 1.0
N = C * H * W
K = int(PERCENT_ON * N)


def setup_inputs(seed: int = 0) -> dict:
    key = jax.random.key(seed)
    k1, k2 = jax.random.split(key)
    x = jax.random.normal(k1, (B, C, H, W), dtype=jnp.float32)
    duty_cycles = jax.random.uniform(k2, (1, C, 1, 1), dtype=jnp.float32)
    return {"x": x, "duty_cycles": duty_cycles}


def reference(x, duty_cycles):
    # KWinners2d forward (training path): boost, take global top-k over C*H*W
    # per batch element, keep original (non-boosted) values at winner positions.
    boost_strength = jnp.maximum(jnp.float32(BOOST_STRENGTH), 0.0)
    batch = x.shape[0]
    target_density = jnp.float32(K / N)
    boost_factors = jnp.exp((target_density - duty_cycles) * boost_strength)
    boosted = (x * boost_factors).reshape(batch, -1)
    flat_x = x.reshape(batch, -1)
    _, indices = jax.lax.top_k(boosted, K)
    updates = jnp.take_along_axis(flat_x, indices, axis=1)
    res = jnp.zeros_like(flat_x).at[jnp.arange(batch)[:, None], indices].set(updates)
    return res.reshape(x.shape)

if __name__ == "__main__":
    import jax
    _d = setup_inputs()
    print(jax.jit(kernel)(*tuple(_d.values())))

</pallas_src>

<mosaic_0001>
#map = affine_map<(d0, d1) -> (0, 0, 0)>
#map1 = affine_map<(d0, d1) -> (0)>
module attributes {stable_mosaic.version = 14 : i64} {
  func.func @_sc_body(%arg0: i32, %arg1: i32, %arg2: memref<784x64x384xf32, #tpu.memory_space<hbm>>, %arg3: memref<384xf32, #tpu.memory_space<hbm>>, %arg4: memref<784x64x384xf32, #tpu.memory_space<hbm>>, %arg5: memref<49x1x384xf32, #tpu.memory_space<vmem>>, %arg6: memref<49x1x384xf32, #tpu.memory_space<vmem>>, %arg7: memref<65536xi32, #tpu.memory_space<vmem>>, %arg8: memref<16384xi32, #tpu.memory_space<vmem>>, %arg9: memref<4096xi32, #tpu.memory_space<vmem>>, %arg10: memref<384xf32, #tpu.memory_space<vmem>>, %arg11: memref<384xf32, #tpu.memory_space<vmem>>, %arg12: memref<256xi32, #tpu.memory_space<smem>>, %arg13: memref<!tpu.dma_semaphore, #tpu.memory_space<semaphore_mem>>, %arg14: memref<!tpu.dma_semaphore, #tpu.memory_space<semaphore_mem>>, %arg15: memref<!tpu.dma_semaphore, #tpu.memory_space<semaphore_mem>>, %arg16: memref<!tpu.dma_semaphore, #tpu.memory_space<semaphore_mem>>) attributes {dimension_semantics = [#tpu.dimension_semantics<core_parallel>, #tpu.dimension_semantics<subcore_parallel>], iteration_bounds = array<i64: 2, 16>, scalar_prefetch = 0 : i64, scratch_operands = 12 : i64, tpu.core_type = #tpu.core_type<sc_vector_subcore>, window_params = [{transform_indices = #map}, {transform_indices = #map1}, {transform_indices = #map}]} {
    %iota3A = tpu.iota {dimensions = array<i32: 0>} : vector<16xi32>
    %mul3A = arith.constant 2 : i32
    %mul3A_0 = arith.muli %arg1, %mul3A : i32
    %add3A = arith.addi %mul3A_0, %arg0 : i32
    "tpu.region"() ({
      %run_scoped3A = tpu.sem_alloc : memref<!tpu.dma_semaphore, #tpu.memory_space<semaphore_mem>>
      tpu.enqueue_dma source(%arg3 : memref<384xf32, #tpu.memory_space<hbm>>) target(%arg11 : memref<384xf32, #tpu.memory_space<vmem>>) target_semaphore(%run_scoped3A : memref<!tpu.dma_semaphore, #tpu.memory_space<semaphore_mem>>)
      tpu.wait_dma2 semaphore(%run_scoped3A : memref<!tpu.dma_semaphore, #tpu.memory_space<semaphore_mem>>) src(%arg3 : memref<384xf32, #tpu.memory_space<hbm>>) dst(%arg11 : memref<384xf32, #tpu.memory_space<vmem>>)
      tpu.yield
    }) : () -> ()
    %scan3A = arith.constant 0 : i32
    %scan3A_1 = arith.constant 0 : i32
    %scan3A_2 = arith.constant 24 : i32
    %scan3A_3 = arith.addi %scan3A_1, %scan3A_2 : i32
    %scan3A_4 = arith.constant 1 : i32
    %scan3A_5 = scf.for %scan3A_14 = %scan3A_1 to %scan3A_3 step %scan3A_4 iter_args(%scan3A_15 = %scan3A) -> (i32)  : i32 {
      %mul3A_16 = arith.constant 16 : i32
      %mul3A_17 = arith.muli %scan3A_14, %mul3A_16 : i32
      %get3A = arith.index_cast %mul3A_17 : i32 to index
      %get3A_18 = tpu.vector_load %arg11[%get3A] {strides = array<i32>} : memref<384xf32, #tpu.memory_space<vmem>>, vector<16xf32>,
      %sub3A = arith.constant 0.0999980047 : f32
      %sub3A_19 = vector.broadcast %sub3A : f32 to vector<16xf32>
      %sub3A_20 = arith.subf %sub3A_19, %get3A_18 : vector<16xf32>
      %exp3A = math.exp %sub3A_20 : vector<16xf32>
      %mul3A_21 = arith.constant 16 : i32
      %mul3A_22 = arith.muli %scan3A_14, %mul3A_21 : i32
      %swap3A = arith.index_cast %mul3A_22 : i32 to index
      %swap3A_23 = tpu.vector_load %arg10[%swap3A] {strides = array<i32>} : memref<384xf32, #tpu.memory_space<vmem>>, vector<16xf32>,
      tpu.vector_store %arg10[%swap3A], %exp3A {strides = array<i32>} : memref<384xf32, #tpu.memory_space<vmem>>, vector<16xf32>,
      %scan3A_24 = arith.constant 0 : i32
      scf.yield %scan3A_24 : i32
    }
    %scan3A_6 = arith.constant 24 : i32
    %scan3A_7 = arith.constant 0 : i32
    %scan3A_8 = arith.constant 0 : i32
    %scan3A_9 = arith.constant 2 : i32
    %scan3A_10 = arith.addi %scan3A_8, %scan3A_9 : i32
    %scan3A_11 = arith.constant 1 : i32
    %scan3A_12 = scf.for %scan3A_14 = %scan3A_8 to %scan3A_10 step %scan3A_11 iter_args(%scan3A_15 = %scan3A_7) -> (i32)  : i32 {
      %mul3A_16 = arith.constant 2 : i32
      %mul3A_17 = arith.muli %add3A, %mul3A_16 : i32
      %add3A_18 = arith.addi %mul3A_17, %scan3A_14 : i32
      %parallel_loop3A = arith.constant 0 : i32
      %parallel_loop3A_19 = arith.constant 4096 : i32
      %parallel_loop3A_20 = arith.constant 1 : i32
      scf.for %parallel_loop3A_142 = %parallel_loop3A to %parallel_loop3A_19 step %parallel_loop3A_20  : i32 {
        %parallel_loop3A_143 = arith.constant 0 : i32
        %parallel_loop3A_144 = vector.broadcast %parallel_loop3A_143 : i32 to vector<16xi32>
        %parallel_loop3A_145 = arith.constant 16 : i32
        %parallel_loop3A_146 = arith.muli %parallel_loop3A_142, %parallel_loop3A_145 : i32
        %parallel_loop3A_147 = arith.index_cast %parallel_loop3A_146 : i32 to index
        %parallel_loop3A_148 = tpu.vector_load %arg7[%parallel_loop3A_147] {strides = array<i32>} : memref<65536xi32, #tpu.memory_space<vmem>>, vector<16xi32>,
        tpu.vector_store %arg7[%parallel_loop3A_147], %parallel_loop3A_144 {strides = array<i32>} : memref<65536xi32, #tpu.memory_space<vmem>>, vector<16xi32>,
      } {sc.loop_unroll_factor = 8 : i64, sc.parallel_access}
      %dma_start3A = arith.constant 0 : i32
      %dma_start3A_21 = arith.constant 0 : i32
      %dma_start3A_22 = tpu.memref_slice %arg2[%dma_start3A, %add3A_18, %dma_start3A_21] : memref<784x64x384xf32, #tpu.memory_space<hbm>> -> memref<49x1x384xf32, #tpu.memory_space<hbm>>
      %dma_start3A_23 = arith.constant 0 : i32
      %dma_start3A_24 = arith.constant 0 : i32
      %dma_start3A_25 = tpu.memref_slice %arg2[%dma_start3A_23, %add3A_18, %dma_start3A_24] : memref<784x64x384xf32, #tpu.memory_space<hbm>> -> memref<49x1x384xf32, #tpu.memory_space<hbm>>
      tpu.enqueue_dma source(%dma_start3A_25 : memref<49x1x384xf32, #tpu.memory_space<hbm>>) target(%arg5 : memref<49x1x384xf32, #tpu.memory_space<vmem>>) target_semaphore(%arg13 : memref<!tpu.dma_semaphore, #tpu.memory_space<semaphore_mem>>)
      %scan3A_26 = arith.constant 0 : i32
      %scan3A_27 = arith.constant 0 : i32
      %scan3A_28 = arith.constant 8 : i32
      %scan3A_29 = arith.addi %scan3A_27, %scan3A_28 : i32
      %scan3A_30 = arith.constant 1 : i32
      %scan3A_31 = scf.for %scan3A_142 = %scan3A_27 to %scan3A_29 step %scan3A_30 iter_args(%scan3A_143 = %scan3A_26) -> (i32)  : i32 {
        %mul3A_144 = arith.constant 2 : i32
        %mul3A_145 = arith.muli %scan3A_142, %mul3A_144 : i32
        %add3A_146 = arith.constant 1 : i32
        %add3A_147 = arith.addi %mul3A_145, %add3A_146 : i32
        %mul3A_148 = arith.constant 49 : i32
        %mul3A_149 = arith.muli %add3A_147, %mul3A_148 : i32
        %dma_start3A_150 = arith.constant 0 : i32
        %dma_start3A_151 = tpu.memref_slice %arg2[%mul3A_149, %add3A_18, %dma_start3A_150] : memref<784x64x384xf32, #tpu.memory_space<hbm>> -> memref<49x1x384xf32, #tpu.memory_space<hbm>>
        %dma_start3A_152 = arith.constant 0 : i32
        %dma_start3A_153 = tpu.memref_slice %arg2[%mul3A_149, %add3A_18, %dma_start3A_152] : memref<784x64x384xf32, #tpu.memory_space<hbm>> -> memref<49x1x384xf32, #tpu.memory_space<hbm>>
        tpu.enqueue_dma source(%dma_start3A_153 : memref<49x1x384xf32, #tpu.memory_space<hbm>>) target(%arg6 : memref<49x1x384xf32, #tpu.memory_space<vmem>>) target_semaphore(%arg14 : memref<!tpu.dma_semaphore, #tpu.memory_space<semaphore_mem>>)
        %mul3A_154 = arith.constant 49 : i32
        %mul3A_155 = arith.muli %mul3A_145, %mul3A_154 : i32
        %dma_wait3A_156 = arith.constant 0 : i32
        %dma_wait3A_157 = tpu.memref_slice %arg2[%mul3A_155, %add3A_18, %dma_wait3A_156] : memref<784x64x384xf32, #tpu.memory_space<hbm>> -> memref<49x1x384xf32, #tpu.memory_space<hbm>>
        %dma_wait3A_158 = arith.constant 0 : i32
        %dma_wait3A_159 = tpu.memref_slice %arg2[%mul3A_155, %add3A_18, %dma_wait3A_158] : memref<784x64x384xf32, #tpu.memory_space<hbm>> -> memref<49x1x384xf32, #tpu.memory_space<hbm>>
        tpu.wait_dma2 semaphore(%arg13 : memref<!tpu.dma_semaphore, #tpu.memory_space<semaphore_mem>>) src(%dma_wait3A_159 : memref<49x1x384xf32, #tpu.memory_space<hbm>>) dst(%arg5 : memref<49x1x384xf32, #tpu.memory_space<vmem>>)
        %scan3A_160 = arith.constant 0 : i32
        %scan3A_161 = arith.constant 0 : i32
        %scan3A_162 = arith.constant 24 : i32
        %scan3A_163 = arith.addi %scan3A_161, %scan3A_162 : i32
        %scan3A_164 = arith.constant 1 : i32
        %scan3A_165 = scf.for %scan3A_185 = %scan3A_161 to %scan3A_163 step %scan3A_164 iter_args(%scan3A_186 = %scan3A_160) -> (i32)  : i32 {
          %mul3A_187 = arith.constant 16 : i32
          %mul3A_188 = arith.muli %scan3A_185, %mul3A_187 : i32
          %get3A_189 = arith.index_cast %mul3A_188 : i32 to index
          %get3A_190 = tpu.vector_load %arg10[%get3A_189] {strides = array<i32>} : memref<384xf32, #tpu.memory_space<vmem>>, vector<16xf32>,
          %parallel_loop3A_191 = arith.constant 0 : i32
          %parallel_loop3A_192 = arith.constant 49 : i32
          %parallel_loop3A_193 = arith.constant 1 : i32
          scf.for %parallel_loop3A_195 = %parallel_loop3A_191 to %parallel_loop3A_192 step %parallel_loop3A_193  : i32 {
            %parallel_loop3A_196 = arith.constant 16 : i32
            %parallel_loop3A_197 = arith.muli %scan3A_185, %parallel_loop3A_196 : i32
            %parallel_loop3A_198 = arith.constant 0 : i32
            %parallel_loop3A_199 = arith.index_cast %parallel_loop3A_195 : i32 to index
            %parallel_loop3A_200 = arith.index_cast %parallel_loop3A_198 : i32 to index
            %parallel_loop3A_201 = arith.index_cast %parallel_loop3A_197 : i32 to index
            %parallel_loop3A_202 = tpu.vector_load %arg5[%parallel_loop3A_199, %parallel_loop3A_200, %parallel_loop3A_201] {strides = array<i32>} : memref<49x1x384xf32, #tpu.memory_space<vmem>>, vector<16xf32>,
            %parallel_loop3A_203 = arith.mulf %parallel_loop3A_202, %get3A_190 : vector<16xf32>
            %parallel_loop3A_204 = vector.bitcast %parallel_loop3A_203 : vector<16xf32> to vector<16xi32>
            %parallel_loop3A_205 = arith.constant 31 : i32
            %parallel_loop3A_206 = vector.broadcast %parallel_loop3A_205 : i32 to vector<16xi32>
            %parallel_loop3A_207 = arith.shrsi %parallel_loop3A_204, %parallel_loop3A_206 : vector<16xi32>
            %parallel_loop3A_208 = arith.constant 2147483647 : i32
            %parallel_loop3A_209 = vector.broadcast %parallel_loop3A_208 : i32 to vector<16xi32>
            %parallel_loop3A_210 = arith.andi %parallel_loop3A_207, %parallel_loop3A_209 : vector<16xi32>
            %parallel_loop3A_211 = arith.xori %parallel_loop3A_204, %parallel_loop3A_210 : vector<16xi32>
            %parallel_loop3A_212 = arith.constant 20 : i32
            %parallel_loop3A_213 = vector.broadcast %parallel_loop3A_212 : i32 to vector<16xi32>
            %parallel_loop3A_214 = arith.shrsi %parallel_loop3A_211, %parallel_loop3A_213 : vector<16xi32>
            %parallel_loop3A_215 = arith.constant 2048 : i32
            %parallel_loop3A_216 = vector.broadcast %parallel_loop3A_215 : i32 to vector<16xi32>
            %parallel_loop3A_217 = arith.addi %parallel_loop3A_214, %parallel_loop3A_216 : vector<16xi32>
            %parallel_loop3A_218 = arith.constant 4096 : i32
            %parallel_loop3A_219 = vector.broadcast %parallel_loop3A_218 : i32 to vector<16xi32>
            %parallel_loop3A_220 = arith.muli %iota3A, %parallel_loop3A_219 : vector<16xi32>
            %parallel_loop3A_221 = arith.addi %parallel_loop3A_220, %parallel_loop3A_217 : vector<16xi32>
            %parallel_loop3A_222 = arith.constant 1 : i32
            %parallel_loop3A_223 = vector.broadcast %parallel_loop3A_222 : i32 to vector<16xi32>
            tpu.vector_store_idx %arg7[%parallel_loop3A_221], %parallel_loop3A_223 {add = true} : memref<65536xi32, #tpu.memory_space<vmem>>[vector<16xi32>], vector<16xi32>,
          } {sc.loop_unroll_factor = 7 : i64, sc.parallel_access}
          %scan3A_194 = arith.constant 0 : i32
          scf.yield %scan3A_194 : i32
        }
        %scan3A_166 = arith.constant 24 : i32
        %lt3A = arith.constant 7 : i32
        %lt3A_167 = arith.cmpi slt, %scan3A_142, %lt3A : i32
        %convert_element_type3A = arith.extui %lt3A_167 : i1 to i32
        %cond3A = arith.constant 0 : i32
        %cond3A_168 = arith.cmpi ne, %convert_element_type3A, %cond3A : i32
        scf.if %cond3A_168 {
          %add3A_185 = arith.constant 2 : i32
          %add3A_186 = arith.addi %mul3A_145, %add3A_185 : i32
          %mul3A_187 = arith.constant 49 : i32
          %mul3A_188 = arith.muli %add3A_186, %mul3A_187 : i32
          %dma_start3A_189 = arith.constant 0 : i32
          %dma_start3A_190 = tpu.memref_slice %arg2[%mul3A_188, %add3A_18, %dma_start3A_189] : memref<784x64x384xf32, #tpu.memory_space<hbm>> -> memref<49x1x384xf32, #tpu.memory_space<hbm>>
          %dma_start3A_191 = arith.constant 0 : i32
          %dma_start3A_192 = tpu.memref_slice %arg2[%mul3A_188, %add3A_18, %dma_start3A_191] : memref<784x64x384xf32, #tpu.memory_space<hbm>> -> memref<49x1x384xf32, #tpu.memory_space<hbm>>
          tpu.enqueue_dma source(%dma_start3A_192 : memref<49x1x384xf32, #tpu.memory_space<hbm>>) target(%arg5 : memref<49x1x384xf32, #tpu.memory_space<vmem>>) target_semaphore(%arg13 : memref<!tpu.dma_semaphore, #tpu.memory_space<semaphore_mem>>)
        } else {
        }
        %add3A_169 = arith.constant 1 : i32
        %add3A_170 = arith.addi %mul3A_145, %add3A_169 : i32
        %mul3A_171 = arith.constant 49 : i32
        %mul3A_172 = arith.muli %add3A_170, %mul3A_171 : i32
        %dma_wait3A_173 = arith.constant 0 : i32
        %dma_wait3A_174 = tpu.memref_slice %arg2[%mul3A_172, %add3A_18, %dma_wait3A_173] : memref<784x64x384xf32, #tpu.memory_space<hbm>> -> memref<49x1x384xf32, #tpu.memory_space<hbm>>
        %dma_wait3A_175 = arith.constant 0 : i32
        %dma_wait3A_176 = tpu.memref_slice %arg2[%mul3A_172, %add3A_18, %dma_wait3A_175] : memref<784x64x384xf32, #tpu.memory_space<hbm>> -> memref<49x1x384xf32, #tpu.memory_space<hbm>>
        tpu.wait_dma2 semaphore(%arg14 : memref<!tpu.dma_semaphore, #tpu.memory_space<semaphore_mem>>) src(%dma_wait3A_176 : memref<49x1x384xf32, #tpu.memory_space<hbm>>) dst(%arg6 : memref<49x1x384xf32, #tpu.memory_space<vmem>>)
        %scan3A_177 = arith.constant 0 : i32
        %scan3A_178 = arith.constant 0 : i32
        %scan3A_179 = arith.constant 24 : i32
        %scan3A_180 = arith.addi %scan3A_178, %scan3A_179 : i32
        %scan3A_181 = arith.constant 1 : i32
        %scan3A_182 = scf.for %scan3A_185 = %scan3A_178 to %scan3A_180 step %scan3A_181 iter_args(%scan3A_186 = %scan3A_177) -> (i32)  : i32 {
          %mul3A_187 = arith.constant 16 : i32
          %mul3A_188 = arith.muli %scan3A_185, %mul3A_187 : i32
          %get3A_189 = arith.index_cast %mul3A_188 : i32 to index
          %get3A_190 = tpu.vector_load %arg10[%get3A_189] {strides = array<i32>} : memref<384xf32, #tpu.memory_space<vmem>>, vector<16xf32>,
          %parallel_loop3A_191 = arith.constant 0 : i32
          %parallel_loop3A_192 = arith.constant 49 : i32
          %parallel_loop3A_193 = arith.constant 1 : i32
          scf.for %parallel_loop3A_195 = %parallel_loop3A_191 to %parallel_loop3A_192 step %parallel_loop3A_193  : i32 {
            %parallel_loop3A_196 = arith.constant 16 : i32
            %parallel_loop3A_197 = arith.muli %scan3A_185, %parallel_loop3A_196 : i32
            %parallel_loop3A_198 = arith.constant 0 : i32
            %parallel_loop3A_199 = arith.index_cast %parallel_loop3A_195 : i32 to index
            %parallel_loop3A_200 = arith.index_cast %parallel_loop3A_198 : i32 to index
            %parallel_loop3A_201 = arith.index_cast %parallel_loop3A_197 : i32 to index
            %parallel_loop3A_202 = tpu.vector_load %arg6[%parallel_loop3A_199, %parallel_loop3A_200, %parallel_loop3A_201] {strides = array<i32>} : memref<49x1x384xf32, #tpu.memory_space<vmem>>, vector<16xf32>,
            %parallel_loop3A_203 = arith.mulf %parallel_loop3A_202, %get3A_190 : vector<16xf32>
            %parallel_loop3A_204 = vector.bitcast %parallel_loop3A_203 : vector<16xf32> to vector<16xi32>
            %parallel_loop3A_205 = arith.constant 31 : i32
            %parallel_loop3A_206 = vector.broadcast %parallel_loop3A_205 : i32 to vector<16xi32>
            %parallel_loop3A_207 = arith.shrsi %parallel_loop3A_204, %parallel_loop3A_206 : vector<16xi32>
            %parallel_loop3A_208 = arith.constant 2147483647 : i32
            %parallel_loop3A_209 = vector.broadcast %parallel_loop3A_208 : i32 to vector<16xi32>
            %parallel_loop3A_210 = arith.andi %parallel_loop3A_207, %parallel_loop3A_209 : vector<16xi32>
            %parallel_loop3A_211 = arith.xori %parallel_loop3A_204, %parallel_loop3A_210 : vector<16xi32>
            %parallel_loop3A_212 = arith.constant 20 : i32
            %parallel_loop3A_213 = vector.broadcast %parallel_loop3A_212 : i32 to vector<16xi32>
            %parallel_loop3A_214 = arith.shrsi %parallel_loop3A_211, %parallel_loop3A_213 : vector<16xi32>
            %parallel_loop3A_215 = arith.constant 2048 : i32
            %parallel_loop3A_216 = vector.broadcast %parallel_loop3A_215 : i32 to vector<16xi32>
            %parallel_loop3A_217 = arith.addi %parallel_loop3A_214, %parallel_loop3A_216 : vector<16xi32>
            %parallel_loop3A_218 = arith.constant 4096 : i32
            %parallel_loop3A_219 = vector.broadcast %parallel_loop3A_218 : i32 to vector<16xi32>
            %parallel_loop3A_220 = arith.muli %iota3A, %parallel_loop3A_219 : vector<16xi32>
            %parallel_loop3A_221 = arith.addi %parallel_loop3A_220, %parallel_loop3A_217 : vector<16xi32>
            %parallel_loop3A_222 = arith.constant 1 : i32
            %parallel_loop3A_223 = vector.broadcast %parallel_loop3A_222 : i32 to vector<16xi32>
            tpu.vector_store_idx %arg7[%parallel_loop3A_221], %parallel_loop3A_223 {add = true} : memref<65536xi32, #tpu.memory_space<vmem>>[vector<16xi32>], vector<16xi32>,
          } {sc.loop_unroll_factor = 7 : i64, sc.parallel_access}
          %scan3A_194 = arith.constant 0 : i32
          scf.yield %scan3A_194 : i32
        }
        %scan3A_183 = arith.constant 24 : i32
        %scan3A_184 = arith.constant 0 : i32
        scf.yield %scan3A_184 : i32
      }
      %scan3A_32 = arith.constant 8 : i32
      %dma_start3A_33 = arith.constant 0 : i32
      %dma_start3A_34 = arith.constant 0 : i32
      %dma_start3A_35 = tpu.memref_slice %arg2[%dma_start3A_33, %add3A_18, %dma_start3A_34] : memref<784x64x384xf32, #tpu.memory_space<hbm>> -> memref<49x1x384xf32, #tpu.memory_space<hbm>>
      %dma_start3A_36 = arith.constant 0 : i32
      %dma_start3A_37 = arith.constant 0 : i32
      %dma_start3A_38 = tpu.memref_slice %arg2[%dma_start3A_36, %add3A_18, %dma_start3A_37] : memref<784x64x384xf32, #tpu.memory_space<hbm>> -> memref<49x1x384xf32, #tpu.memory_space<hbm>>
      tpu.enqueue_dma source(%dma_start3A_38 : memref<49x1x384xf32, #tpu.memory_space<hbm>>) target(%arg5 : memref<49x1x384xf32, #tpu.memory_space<vmem>>) target_semaphore(%arg13 : memref<!tpu.dma_semaphore, #tpu.memory_space<semaphore_mem>>)
      %parallel_loop3A_39 = arith.constant 0 : i32
      %parallel_loop3A_40 = arith.constant 256 : i32
      %parallel_loop3A_41 = arith.constant 1 : i32
      scf.for %parallel_loop3A_142 = %parallel_loop3A_39 to %parallel_loop3A_40 step %parallel_loop3A_41  : i32 {
        %parallel_loop3A_143 = arith.constant 0 : i32
        %parallel_loop3A_144 = vector.broadcast %parallel_loop3A_143 : i32 to vector<16xi32>
        %parallel_loop3A_145 = arith.constant 0 : i32
        %parallel_loop3A_146 = arith.constant 4096 : i32
        %parallel_loop3A_147 = arith.muli %parallel_loop3A_145, %parallel_loop3A_146 : i32
        %parallel_loop3A_148 = arith.constant 16 : i32
        %parallel_loop3A_149 = arith.muli %parallel_loop3A_142, %parallel_loop3A_148 : i32
        %parallel_loop3A_150 = arith.addi %parallel_loop3A_147, %parallel_loop3A_149 : i32
        %parallel_loop3A_151 = arith.index_cast %parallel_loop3A_150 : i32 to index
        %parallel_loop3A_152 = tpu.vector_load %arg7[%parallel_loop3A_151] {strides = array<i32>} : memref<65536xi32, #tpu.memory_space<vmem>>, vector<16xi32>,
        %parallel_loop3A_153 = arith.addi %parallel_loop3A_144, %parallel_loop3A_152 : vector<16xi32>
        %parallel_loop3A_154 = arith.constant 1 : i32
        %parallel_loop3A_155 = arith.constant 4096 : i32
        %parallel_loop3A_156 = arith.muli %parallel_loop3A_154, %parallel_loop3A_155 : i32
        %parallel_loop3A_157 = arith.constant 16 : i32
        %parallel_loop3A_158 = arith.muli %parallel_loop3A_142, %parallel_loop3A_157 : i32
        %parallel_loop3A_159 = arith.addi %parallel_loop3A_156, %parallel_loop3A_158 : i32
        %parallel_loop3A_160 = arith.index_cast %parallel_loop3A_159 : i32 to index
        %parallel_loop3A_161 = tpu.vector_load %arg7[%parallel_loop3A_160] {strides = array<i32>} : memref<65536xi32, #tpu.memory_space<vmem>>, vector<16xi32>,
        %parallel_loop3A_162 = arith.addi %parallel_loop3A_153, %parallel_loop3A_161 : vector<16xi32>
        %parallel_loop3A_163 = arith.constant 2 : i32
        %parallel_loop3A_164 = arith.constant 4096 : i32
        %parallel_loop3A_165 = arith.muli %parallel_loop3A_163, %parallel_loop3A_164 : i32
        %parallel_loop3A_166 = arith.constant 16 : i32
        %parallel_loop3A_167 = arith.muli %parallel_loop3A_142, %parallel_loop3A_166 : i32
        %parallel_loop3A_168 = arith.addi %parallel_loop3A_165, %parallel_loop3A_167 : i32
        %parallel_loop3A_169 = arith.index_cast %parallel_loop3A_168 : i32 to index
        %parallel_loop3A_170 = tpu.vector_load %arg7[%parallel_loop3A_169] {strides = array<i32>} : memref<65536xi32, #tpu.memory_space<vmem>>, vector<16xi32>,
        %parallel_loop3A_171 = arith.addi %parallel_loop3A_162, %parallel_loop3A_170 : vector<16xi32>
        %parallel_loop3A_172 = arith.constant 3 : i32
        %parallel_loop3A_173 = arith.constant 4096 : i32
        %parallel_loop3A_174 = arith.muli %parallel_loop3A_172, %parallel_loop3A_173 : i32
        %parallel_loop3A_175 = arith.constant 16 : i32
        %parallel_loop3A_176 = arith.muli %parallel_loop3A_142, %parallel_loop3A_175 : i32
        %parallel_loop3A_177 = arith.addi %parallel_loop3A_174, %parallel_loop3A_176 : i32
        %parallel_loop3A_178 = arith.index_cast %parallel_loop3A_177 : i32 to index
        %parallel_loop3A_179 = tpu.vector_load %arg7[%parallel_loop3A_178] {strides = array<i32>} : memref<65536xi32, #tpu.memory_space<vmem>>, vector<16xi32>,
        %parallel_loop3A_180 = arith.addi %parallel_loop3A_171, %parallel_loop3A_179 : vector<16xi32>
        %parallel_loop3A_181 = arith.constant 4 : i32
        %parallel_loop3A_182 = arith.constant 4096 : i32
        %parallel_loop3A_183 = arith.muli %parallel_loop3A_181, %parallel_loop3A_182 : i32
        %parallel_loop3A_184 = arith.constant 16 : i32
        %parallel_loop3A_185 = arith.muli %parallel_loop3A_142, %parallel_loop3A_184 : i32
        %parallel_loop3A_186 = arith.addi %parallel_loop3A_183, %parallel_loop3A_185 : i32
        %parallel_loop3A_187 = arith.index_cast %parallel_loop3A_186 : i32 to index
        %parallel_loop3A_188 = tpu.vector_load %arg7[%parallel_loop3A_187] {strides = array<i32>} : memref<65536xi32, #tpu.memory_space<vmem>>, vector<16xi32>,
        %parallel_loop3A_189 = arith.addi %parallel_loop3A_180, %parallel_loop3A_188 : vector<16xi32>
        %parallel_loop3A_190 = arith.constant 5 : i32
        %parallel_loop3A_191 = arith.constant 4096 : i32
        %parallel_loop3A_192 = arith.muli %parallel_loop3A_190, %parallel_loop3A_191 : i32
        %parallel_loop3A_193 = arith.constant 16 : i32
        %parallel_loop3A_194 = arith.muli %parallel_loop3A_142, %parallel_loop3A_193 : i32
        %parallel_loop3A_195 = arith.addi %parallel_loop3A_192, %parallel_loop3A_194 : i32
        %parallel_loop3A_196 = arith.index_cast %parallel_loop3A_195 : i32 to index
        %parallel_loop3A_197 = tpu.vector_load %arg7[%parallel_loop3A_196] {strides = array<i32>} : memref<65536xi32, #tpu.memory_space<vmem>>, vector<16xi32>,
        %parallel_loop3A_198 = arith.addi %parallel_loop3A_189, %parallel_loop3A_197 : vector<16xi32>
        %parallel_loop3A_199 = arith.constant 6 : i32
        %parallel_loop3A_200 = arith.constant 4096 : i32
        %parallel_loop3A_201 = arith.muli %parallel_loop3A_199, %parallel_loop3A_200 : i32
        %parallel_loop3A_202 = arith.constant 16 : i32
        %parallel_loop3A_203 = arith.muli %parallel_loop3A_142, %parallel_loop3A_202 : i32
        %parallel_loop3A_204 = arith.addi %parallel_loop3A_201, %parallel_loop3A_203 : i32
        %parallel_loop3A_205 = arith.index_cast %parallel_loop3A_204 : i32 to index
        %parallel_loop3A_206 = tpu.vector_load %arg7[%parallel_loop3A_205] {strides = array<i32>} : memref<65536xi32, #tpu.memory_space<vmem>>, vector<16xi32>,
        %parallel_loop3A_207 = arith.addi %parallel_loop3A_198, %parallel_loop3A_206 : vector<16xi32>
        %parallel_loop3A_208 = arith.constant 7 : i32
        %parallel_loop3A_209 = arith.constant 4096 : i32
        %parallel_loop3A_210 = arith.muli %parallel_loop3A_208, %parallel_loop3A_209 : i32
        %parallel_loop3A_211 = arith.constant 16 : i32
        %parallel_loop3A_212 = arith.muli %parallel_loop3A_142, %parallel_loop3A_211 : i32
        %parallel_loop3A_213 = arith.addi %parallel_loop3A_210, %parallel_loop3A_212 : i32
        %parallel_loop3A_214 = arith.index_cast %parallel_loop3A_213 : i32 to index
        %parallel_loop3A_215 = tpu.vector_load %arg7[%parallel_loop3A_214] {strides = array<i32>} : memref<65536xi32, #tpu.memory_space<vmem>>, vector<16xi32>,
        %parallel_loop3A_216 = arith.addi %parallel_loop3A_207, %parallel_loop3A_215 : vector<16xi32>
        %parallel_loop3A_217 = arith.constant 8 : i32
        %parallel_loop3A_218 = arith.constant 4096 : i32
        %parallel_loop3A_219 = arith.muli %parallel_loop3A_217, %parallel_loop3A_218 : i32
        %parallel_loop3A_220 = arith.constant 16 : i32
        %parallel_loop3A_221 = arith.muli %parallel_loop3A_142, %parallel_loop3A_220 : i32
        %parallel_loop3A_222 = arith.addi %parallel_loop3A_219, %parallel_loop3A_221 : i32
        %parallel_loop3A_223 = arith.index_cast %parallel_loop3A_222 : i32 to index
        %parallel_loop3A_224 = tpu.vector_load %arg7[%parallel_loop3A_223] {strides = array<i32>} : memref<65536xi32, #tpu.memory_space<vmem>>, vector<16xi32>,
        %parallel_loop3A_225 = arith.addi %parallel_loop3A_216, %parallel_loop3A_224 : vector<16xi32>
        %parallel_loop3A_226 = arith.constant 9 : i32
        %parallel_loop3A_227 = arith.constant 4096 : i32
        %parallel_loop3A_228 = arith.muli %parallel_loop3A_226, %parallel_loop3A_227 : i32
        %parallel_loop3A_229 = arith.constant 16 : i32
        %parallel_loop3A_230 = arith.muli %parallel_loop3A_142, %parallel_loop3A_229 : i32
        %parallel_loop3A_231 = arith.addi %parallel_loop3A_228, %parallel_loop3A_230 : i32
        %parallel_loop3A_232 = arith.index_cast %parallel_loop3A_231 : i32 to index
        %parallel_loop3A_233 = tpu.vector_load %arg7[%parallel_loop3A_232] {strides = array<i32>} : memref<65536xi32, #tpu.memory_space<vmem>>, vector<16xi32>,
        %parallel_loop3A_234 = arith.addi %parallel_loop3A_225, %parallel_loop3A_233 : vector<16xi32>
        %parallel_loop3A_235 = arith.constant 10 : i32
        %parallel_loop3A_236 = arith.constant 4096 : i32
        %parallel_loop3A_237 = arith.muli %parallel_loop3A_235, %parallel_loop3A_236 : i32
        %parallel_loop3A_238 = arith.constant 16 : i32
        %parallel_loop3A_239 = arith.muli %parallel_loop3A_142, %parallel_loop3A_238 : i32
        %parallel_loop3A_240 = arith.addi %parallel_loop3A_237, %parallel_loop3A_239 : i32
        %parallel_loop3A_241 = arith.index_cast %parallel_loop3A_240 : i32 to index
        %parallel_loop3A_242 = tpu.vector_load %arg7[%parallel_loop3A_241] {strides = array<i32>} : memref<65536xi32, #tpu.memory_space<vmem>>, vector<16xi32>,
        %parallel_loop3A_243 = arith.addi %parallel_loop3A_234, %parallel_loop3A_242 : vector<16xi32>
        %parallel_loop3A_244 = arith.constant 11 : i32
        %parallel_loop3A_245 = arith.constant 4096 : i32
        %parallel_loop3A_246 = arith.muli %parallel_loop3A_244, %parallel_loop3A_245 : i32
        %parallel_loop3A_247 = arith.constant 16 : i32
        %parallel_loop3A_248 = arith.muli %parallel_loop3A_142, %parallel_loop3A_247 : i32
        %parallel_loop3A_249 = arith.addi %parallel_loop3A_246, %parallel_loop3A_248 : i32
        %parallel_loop3A_250 = arith.index_cast %parallel_loop3A_249 : i32 to index
        %parallel_loop3A_251 = tpu.vector_load %arg7[%parallel_loop3A_250] {strides = array<i32>} : memref<65536xi32, #tpu.memory_space<vmem>>, vector<16xi32>,
        %parallel_loop3A_252 = arith.addi %parallel_loop3A_243, %parallel_loop3A_251 : vector<16xi32>
        %parallel_loop3A_253 = arith.constant 12 : i32
        %parallel_loop3A_254 = arith.constant 4096 : i32
        %parallel_loop3A_255 = arith.muli %parallel_loop3A_253, %parallel_loop3A_254 : i32
        %parallel_loop3A_256 = arith.constant 16 : i32
        %parallel_loop3A_257 = arith.muli %parallel_loop3A_142, %parallel_loop3A_256 : i32
        %parallel_loop3A_258 = arith.addi %parallel_loop3A_255, %parallel_loop3A_257 : i32
        %parallel_loop3A_259 = arith.index_cast %parallel_loop3A_258 : i32 to index
        %parallel_loop3A_260 = tpu.vector_load %arg7[%parallel_loop3A_259] {strides = array<i32>} : memref<65536xi32, #tpu.memory_space<vmem>>, vector<16xi32>,
        %parallel_loop3A_261 = arith.addi %parallel_loop3A_252, %parallel_loop3A_260 : vector<16xi32>
        %parallel_loop3A_262 = arith.constant 13 : i32
        %parallel_loop3A_263 = arith.constant 4096 : i32
        %parallel_loop3A_264 = arith.muli %parallel_loop3A_262, %parallel_loop3A_263 : i32
        %parallel_loop3A_265 = arith.constant 16 : i32
        %parallel_loop3A_266 = arith.muli %parallel_loop3A_142, %parallel_loop3A_265 : i32
        %parallel_loop3A_267 = arith.addi %parallel_loop3A_264, %parallel_loop3A_266 : i32
        %parallel_loop3A_268 = arith.index_cast %parallel_loop3A_267 : i32 to index
        %parallel_loop3A_269 = tpu.vector_load %arg7[%parallel_loop3A_268] {strides = array<i32>} : memref<65536xi32, #tpu.memory_space<vmem>>, vector<16xi32>,
        %parallel_loop3A_270 = arith.addi %parallel_loop3A_261, %parallel_loop3A_269 : vector<16xi32>
        %parallel_loop3A_271 = arith.constant 14 : i32
        %parallel_loop3A_272 = arith.constant 4096 : i32
        %parallel_loop3A_273 = arith.muli %parallel_loop3A_271, %parallel_loop3A_272 : i32
        %parallel_loop3A_274 = arith.constant 16 : i32
        %parallel_loop3A_275 = arith.muli %parallel_loop3A_142, %parallel_loop3A_274 : i32
        %parallel_loop3A_276 = arith.addi %parallel_loop3A_273, %parallel_loop3A_275 : i32
        %parallel_loop3A_277 = arith.index_cast %parallel_loop3A_276 : i32 to index
        %parallel_loop3A_278 = tpu.vector_load %arg7[%parallel_loop3A_277] {strides = array<i32>} : memref<65536xi32, #tpu.memory_space<vmem>>, vector<16xi32>,
        %parallel_loop3A_279 = arith.addi %parallel_loop3A_270, %parallel_loop3A_278 : vector<16xi32>
        %parallel_loop3A_280 = arith.constant 15 : i32
        %parallel_loop3A_281 = arith.constant 4096 : i32
        %parallel_loop3A_282 = arith.muli %parallel_loop3A_280, %parallel_loop3A_281 : i32
        %parallel_loop3A_283 = arith.constant 16 : i32
        %parallel_loop3A_284 = arith.muli %parallel_loop3A_142, %parallel_loop3A_283 : i32
        %parallel_loop3A_285 = arith.addi %parallel_loop3A_282, %parallel_loop3A_284 : i32
        %parallel_loop3A_286 = arith.index_cast %parallel_loop3A_285 : i32 to index
        %parallel_loop3A_287 = tpu.vector_load %arg7[%parallel_loop3A_286] {strides = array<i32>} : memref<65536xi32, #tpu.memory_space<vmem>>, vector<16xi32>,
        %parallel_loop3A_288 = arith.addi %parallel_loop3A_279, %parallel_loop3A_287 : vector<16xi32>
        %parallel_loop3A_289 = arith.constant 16 : i32
        %parallel_loop3A_290 = arith.constant 16 : i32
        %parallel_loop3A_291 = arith.muli %parallel_loop3A_142, %parallel_loop3A_290 : i32
        %parallel_loop3A_292 = arith.index_cast %parallel_loop3A_291 : i32 to index
        %parallel_loop3A_293 = tpu.vector_load %arg9[%parallel_loop3A_292] {strides = array<i32>} : memref<4096xi32, #tpu.memory_space<vmem>>, vector<16xi32>,
        tpu.vector_store %arg9[%parallel_loop3A_292], %parallel_loop3A_288 {strides = array<i32>} : memref<4096xi32, #tpu.memory_space<vmem>>, vector<16xi32>,
        %parallel_loop3A_294 = arith.constant true
        %parallel_loop3A_295 = vector.broadcast %parallel_loop3A_294 : i1 to vector<16xi1>
        %parallel_loop3A_296 = tpu.scan <sum>, %parallel_loop3A_288 masked %parallel_loop3A_295 : vector<16xi32>, vector<16xi1> -> vector<16xi32>
        %parallel_loop3A_297 = vector.extract %parallel_loop3A_296[15] : i32 from vector<16xi32>
        %parallel_loop3A_298 = arith.index_cast %parallel_loop3A_142 : i32 to index
        %parallel_loop3A_299 = memref.load %arg12[%parallel_loop3A_298] : memref<256xi32, #tpu.memory_space<smem>>
        memref.store %parallel_loop3A_297, %arg12[%parallel_loop3A_298] : memref<256xi32, #tpu.memory_space<smem>>
      } {sc.loop_unroll_factor = 2 : i64, sc.parallel_access}
      %scan3A_42 = arith.constant false
      %scan3A_43 = arith.constant 0 : i32
      %scan3A_44 = arith.constant 0 : i32
      %scan3A_45 = arith.constant 0 : i32
      %scan3A_46 = arith.constant 0 : i32
      %scan3A_47 = arith.constant 256 : i32
      %scan3A_48 = arith.addi %scan3A_46, %scan3A_47 : i32
      %scan3A_49 = arith.constant 1 : i32
      %scan3A_50:4 = scf.for %scan3A_142 = %scan3A_46 to %scan3A_48 step %scan3A_49 iter_args(%scan3A_143 = %scan3A_42, %scan3A_144 = %scan3A_43, %scan3A_145 = %scan3A_44, %scan3A_146 = %scan3A_45) -> (i1, i32, i32, i32)  : i32 {
        %sub3A_147 = arith.constant 255 : i32
        %sub3A_148 = arith.subi %sub3A_147, %scan3A_142 : i32
        %get3A_149 = arith.index_cast %sub3A_148 : i32 to index
        %get3A_150 = memref.load %arg12[%get3A_149] : memref<256xi32, #tpu.memory_space<smem>>
        %not3A = arith.constant true
        %not3A_151 = arith.xori %scan3A_143, %not3A : i1
        %add3A_152 = arith.addi %scan3A_144, %get3A_150 : i32
        %ge3A_153 = arith.constant 30105 : i32
        %ge3A_154 = arith.cmpi sge, %add3A_152, %ge3A_153 : i32
        %and3A = arith.andi %not3A_151, %ge3A_154 : i1
        %select_n3A_155 = arith.select %and3A, %sub3A_148, %scan3A_145 : i32
        %select_n3A_156 = arith.select %and3A, %scan3A_144, %scan3A_146 : i32
        %or3A = arith.ori %scan3A_143, %and3A : i1
        %add3A_157 = arith.addi %scan3A_144, %get3A_150 : i32
        %select_n3A_158 = arith.select %or3A, %scan3A_144, %add3A_157 : i32
        %or3A_159 = arith.ori %scan3A_143, %and3A : i1
        scf.yield %or3A_159, %select_n3A_158, %select_n3A_155, %select_n3A_156 : i1, i32, i32, i32
      }
      %scan3A_51 = arith.constant 256 : i32
      %mul3A_52 = arith.constant 16 : i32
      %mul3A_53 = arith.muli %scan3A_50#2, %mul3A_52 : i32
      %get3A = arith.index_cast %mul3A_53 : i32 to index
      %get3A_54 = tpu.vector_load %arg9[%get3A] {strides = array<i32>} : memref<4096xi32, #tpu.memory_space<vmem>>, vector<16xi32>,
      %rev3A = arith.constant 15 : i32
      %rev3A_55 = vector.broadcast %rev3A : i32 to vector<16xi32>
      %rev3A_56 = tpu.iota {dimensions = array<i32: 0>} : vector<16xi32>
      %rev3A_57 = arith.subi %rev3A_55, %rev3A_56 : vector<16xi32>
      %rev3A_58 = tpu.dynamic_gather %get3A_54[%rev3A_57] in [0] : vector<16xi32>, vector<16xi32> -> vector<16xi32>
      %broadcast_in_dim3A = arith.constant true
      %broadcast_in_dim3A_59 = vector.broadcast %broadcast_in_dim3A : i1 to vector<16xi1>
      %masked_cumsum3A = tpu.scan <sum>, %rev3A_58 masked %broadcast_in_dim3A_59 : vector<16xi32>, vector<16xi1> -> vector<16xi32>
      %rev3A_60 = arith.constant 15 : i32
      %rev3A_61 = vector.broadcast %rev3A_60 : i32 to vector<16xi32>
      %rev3A_62 = tpu.iota {dimensions = array<i32: 0>} : vector<16xi32>
      %rev3A_63 = arith.subi %rev3A_61, %rev3A_62 : vector<16xi32>
      %rev3A_64 = tpu.dynamic_gather %masked_cumsum3A[%rev3A_63] in [0] : vector<16xi32>, vector<16xi32> -> vector<16xi32>
      %add3A_65 = vector.broadcast %scan3A_50#3 : i32 to vector<16xi32>
      %add3A_66 = arith.addi %add3A_65, %rev3A_64 : vector<16xi32>
      %ge3A = arith.constant 30105 : i32
      %ge3A_67 = vector.broadcast %ge3A : i32 to vector<16xi32>
      %ge3A_68 = arith.cmpi sge, %add3A_66, %ge3A_67 : vector<16xi32>
      %all_reduce_population_count3A = tpu.all_reduce %ge3A_68 {dim = 0 : i64, kind = #tpu.reduction_kind<sum>} : vector<16xi1> -> vector<16xi32>
      %reduce_max3A = arith.constant true
      %reduce_max3A_69 = vector.broadcast %reduce_max3A : i1 to vector<16xi1>
      %reduce_max3A_70 = arith.constant -2147483648 : i32
      %reduce_max3A_71 = vector.broadcast %reduce_max3A_70 : i32 to vector<16xi32>
      %reduce_max3A_72 = arith.xori %all_reduce_population_count3A, %reduce_max3A_71 : vector<16xi32>
      %reduce_max3A_73 = tpu.scan <max>, %reduce_max3A_72 masked %reduce_max3A_69 : vector<16xi32>, vector<16xi1> -> vector<16xi32>
      %reduce_max3A_74 = arith.xori %reduce_max3A_73, %reduce_max3A_71 : vector<16xi32>
      %reduce_max3A_75 = vector.extract %reduce_max3A_74[15] : i32 from vector<16xi32>
      %sub3A = arith.constant 1 : i32
      %sub3A_76 = arith.subi %reduce_max3A_75, %sub3A : i32
      %mul3A_77 = arith.constant 16 : i32
      %mul3A_78 = arith.muli %scan3A_50#2, %mul3A_77 : i32
      %add3A_79 = arith.addi %mul3A_78, %sub3A_76 : i32
      %gt3A = vector.broadcast %sub3A_76 : i32 to vector<16xi32>
      %gt3A_80 = arith.cmpi sgt, %iota3A, %gt3A : vector<16xi32>
      %jit3A = arith.constant 0 : i32
      %broadcast_in_dim3A_81 = vector.broadcast %jit3A : i32 to vector<16xi32>
      %select_n3A = arith.select %gt3A_80, %get3A_54, %broadcast_in_dim3A_81 : vector<16xi1>, vector<16xi32>
      %reduce_sum3A = arith.constant true
      %reduce_sum3A_82 = vector.broadcast %reduce_sum3A : i1 to vector<16xi1>
      %reduce_sum3A_83 = tpu.scan <sum>, %select_n3A masked %reduce_sum3A_82 : vector<16xi32>, vector<16xi1> -> vector<16xi32>
      %reduce_sum3A_84 = vector.extract %reduce_sum3A_83[15] : i32 from vector<16xi32>
      %add3A_85 = arith.addi %scan3A_50#3, %reduce_sum3A_84 : i32
      %sub3A_86 = arith.constant 2048 : i32
      %sub3A_87 = arith.subi %add3A_79, %sub3A_86 : i32
      %broadcast_in_dim3A_88 = arith.constant 0 : i32
      %broadcast_in_dim3A_89 = vector.broadcast %broadcast_in_dim3A_88 : i32 to vector<16xi32>
      %scan3A_90 = arith.constant 0 : i32
      %scan3A_91 = arith.constant 8 : i32
      %scan3A_92 = arith.addi %scan3A_90, %scan3A_91 : i32
      %scan3A_93 = arith.constant 1 : i32
      %scan3A_94 = scf.for %scan3A_142 = %scan3A_90 to %scan3A_92 step %scan3A_93 iter_args(%scan3A_143 = %broadcast_in_dim3A_89) -> (vector<16xi32>)  : i32 {
        %mul3A_144 = arith.constant 2 : i32
        %mul3A_145 = arith.muli %scan3A_142, %mul3A_144 : i32
        %add3A_146 = arith.constant 1 : i32
        %add3A_147 = arith.addi %mul3A_145, %add3A_146 : i32
        %mul3A_148 = arith.constant 49 : i32
        %mul3A_149 = arith.muli %add3A_147, %mul3A_148 : i32
        %dma_start3A_150 = arith.constant 0 : i32
        %dma_start3A_151 = tpu.memref_slice %arg2[%mul3A_149, %add3A_18, %dma_start3A_150] : memref<784x64x384xf32, #tpu.memory_space<hbm>> -> memref<49x1x384xf32, #tpu.memory_space<hbm>>
        %dma_start3A_152 = arith.constant 0 : i32
        %dma_start3A_153 = tpu.memref_slice %arg2[%mul3A_149, %add3A_18, %dma_start3A_152] : memref<784x64x384xf32, #tpu.memory_space<hbm>> -> memref<49x1x384xf32, #tpu.memory_space<hbm>>
        tpu.enqueue_dma source(%dma_start3A_153 : memref<49x1x384xf32, #tpu.memory_space<hbm>>) target(%arg6 : memref<49x1x384xf32, #tpu.memory_space<vmem>>) target_semaphore(%arg14 : memref<!tpu.dma_semaphore, #tpu.memory_space<semaphore_mem>>)
        %mul3A_154 = arith.constant 49 : i32
        %mul3A_155 = arith.muli %mul3A_145, %mul3A_154 : i32
        %dma_wait3A_156 = arith.constant 0 : i32
        %dma_wait3A_157 = tpu.memref_slice %arg2[%mul3A_155, %add3A_18, %dma_wait3A_156] : memref<784x64x384xf32, #tpu.memory_space<hbm>> -> memref<49x1x384xf32, #tpu.memory_space<hbm>>
        %dma_wait3A_158 = arith.constant 0 : i32
        %dma_wait3A_159 = tpu.memref_slice %arg2[%mul3A_155, %add3A_18, %dma_wait3A_158] : memref<784x64x384xf32, #tpu.memory_space<hbm>> -> memref<49x1x384xf32, #tpu.memory_space<hbm>>
        tpu.wait_dma2 semaphore(%arg13 : memref<!tpu.dma_semaphore, #tpu.memory_space<semaphore_mem>>) src(%dma_wait3A_159 : memref<49x1x384xf32, #tpu.memory_space<hbm>>) dst(%arg5 : memref<49x1x384xf32, #tpu.memory_space<vmem>>)
        %scan3A_160 = arith.constant 0 : i32
        %scan3A_161 = arith.constant 24 : i32
        %scan3A_162 = arith.addi %scan3A_160, %scan3A_161 : i32
        %scan3A_163 = arith.constant 1 : i32
        %scan3A_164 = scf.for %scan3A_182 = %scan3A_160 to %scan3A_162 step %scan3A_163 iter_args(%scan3A_183 = %scan3A_143) -> (vector<16xi32>)  : i32 {
          %mul3A_184 = arith.constant 16 : i32
          %mul3A_185 = arith.muli %scan3A_182, %mul3A_184 : i32
          %get3A_186 = arith.index_cast %mul3A_185 : i32 to index
          %get3A_187 = tpu.vector_load %arg10[%get3A_186] {strides = array<i32>} : memref<384xf32, #tpu.memory_space<vmem>>, vector<16xf32>,
          %parallel_loop3A_188 = arith.constant 0 : i32
          %parallel_loop3A_189 = arith.constant 49 : i32
          %parallel_loop3A_190 = arith.constant 1 : i32
          %parallel_loop3A_191 = scf.for %parallel_loop3A_192 = %parallel_loop3A_188 to %parallel_loop3A_189 step %parallel_loop3A_190 iter_args(%parallel_loop3A_193 = %scan3A_183) -> (vector<16xi32>)  : i32 {
            %parallel_loop3A_194 = arith.constant 16 : i32
            %parallel_loop3A_195 = arith.muli %scan3A_182, %parallel_loop3A_194 : i32
            %parallel_loop3A_196 = arith.constant 0 : i32
            %parallel_loop3A_197 = arith.index_cast %parallel_loop3A_192 : i32 to index
            %parallel_loop3A_198 = arith.index_cast %parallel_loop3A_196 : i32 to index
            %parallel_loop3A_199 = arith.index_cast %parallel_loop3A_195 : i32 to index
            %parallel_loop3A_200 = tpu.vector_load %arg5[%parallel_loop3A_197, %parallel_loop3A_198, %parallel_loop3A_199] {strides = array<i32>} : memref<49x1x384xf32, #tpu.memory_space<vmem>>, vector<16xf32>,
            %parallel_loop3A_201 = arith.mulf %parallel_loop3A_200, %get3A_187 : vector<16xf32>
            %parallel_loop3A_202 = vector.bitcast %parallel_loop3A_201 : vector<16xf32> to vector<16xi32>
            %parallel_loop3A_203 = arith.constant 31 : i32
            %parallel_loop3A_204 = vector.broadcast %parallel_loop3A_203 : i32 to vector<16xi32>
            %parallel_loop3A_205 = arith.shrsi %parallel_loop3A_202, %parallel_loop3A_204 : vector<16xi32>
            %parallel_loop3A_206 = arith.constant 2147483647 : i32
            %parallel_loop3A_207 = vector.broadcast %parallel_loop3A_206 : i32 to vector<16xi32>
            %parallel_loop3A_208 = arith.andi %parallel_loop3A_205, %parallel_loop3A_207 : vector<16xi32>
            %parallel_loop3A_209 = arith.xori %parallel_loop3A_202, %parallel_loop3A_208 : vector<16xi32>
            %parallel_loop3A_210 = arith.constant 20 : i32
            %parallel_loop3A_211 = vector.broadcast %parallel_loop3A_210 : i32 to vector<16xi32>
            %parallel_loop3A_212 = arith.shrsi %parallel_loop3A_209, %parallel_loop3A_211 : vector<16xi32>
            %parallel_loop3A_213 = vector.broadcast %sub3A_87 : i32 to vector<16xi32>
            %parallel_loop3A_214 = arith.cmpi eq, %parallel_loop3A_212, %parallel_loop3A_213 : vector<16xi32>
            %parallel_loop3A_215 = arith.constant 1024 : i32
            %parallel_loop3A_216 = vector.broadcast %parallel_loop3A_215 : i32 to vector<16xi32>
            %parallel_loop3A_217 = arith.cmpi slt, %parallel_loop3A_193, %parallel_loop3A_216 : vector<16xi32>
            %parallel_loop3A_218 = arith.andi %parallel_loop3A_214, %parallel_loop3A_217 : vector<16xi1>
            %parallel_loop3A_219 = arith.constant 16 : i32
            %parallel_loop3A_220 = vector.broadcast %parallel_loop3A_219 : i32 to vector<16xi32>
            %parallel_loop3A_221 = arith.muli %parallel_loop3A_193, %parallel_loop3A_220 : vector<16xi32>
            %parallel_loop3A_222 = arith.addi %parallel_loop3A_221, %iota3A : vector<16xi32>
            tpu.vector_store_idx %arg8[%parallel_loop3A_222], %parallel_loop3A_209 masked %parallel_loop3A_218 : memref<16384xi32, #tpu.memory_space<vmem>>[vector<16xi32>], vector<16xi32>, vector<16xi1>
            %parallel_loop3A_223 = arith.constant 1 : i32
            %parallel_loop3A_224 = arith.constant 0 : i32
            %parallel_loop3A_225 = vector.broadcast %parallel_loop3A_223 : i32 to vector<16xi32>
            %parallel_loop3A_226 = vector.broadcast %parallel_loop3A_224 : i32 to vector<16xi32>
            %parallel_loop3A_227 = arith.select %parallel_loop3A_218, %parallel_loop3A_225, %parallel_loop3A_226 : vector<16xi1>, vector<16xi32>
            %parallel_loop3A_228 = arith.addi %parallel_loop3A_193, %parallel_loop3A_227 : vector<16xi32>
            scf.yield %parallel_loop3A_228 : vector<16xi32>
          } {sc.loop_unroll_factor = 7 : i64, sc.parallel_access}
          scf.yield %parallel_loop3A_191 : vector<16xi32>
        }
        %scan3A_165 = arith.constant 24 : i32
        %lt3A = arith.constant 7 : i32
        %lt3A_166 = arith.cmpi slt, %scan3A_142, %lt3A : i32
        %convert_element_type3A = arith.extui %lt3A_166 : i1 to i32
        %cond3A = arith.constant 0 : i32
        %cond3A_167 = arith.cmpi ne, %convert_element_type3A, %cond3A : i32
        scf.if %cond3A_167 {
          %add3A_182 = arith.constant 2 : i32
          %add3A_183 = arith.addi %mul3A_145, %add3A_182 : i32
          %mul3A_184 = arith.constant 49 : i32
          %mul3A_185 = arith.muli %add3A_183, %mul3A_184 : i32
          %dma_start3A_186 = arith.constant 0 : i32
          %dma_start3A_187 = tpu.memref_slice %arg2[%mul3A_185, %add3A_18, %dma_start3A_186] : memref<784x64x384xf32, #tpu.memory_space<hbm>> -> memref<49x1x384xf32, #tpu.memory_space<hbm>>
          %dma_start3A_188 = arith.constant 0 : i32
          %dma_start3A_189 = tpu.memref_slice %arg2[%mul3A_185, %add3A_18, %dma_start3A_188] : memref<784x64x384xf32, #tpu.memory_space<hbm>> -> memref<49x1x384xf32, #tpu.memory_space<hbm>>
          tpu.enqueue_dma source(%dma_start3A_189 : memref<49x1x384xf32, #tpu.memory_space<hbm>>) target(%arg5 : memref<49x1x384xf32, #tpu.memory_space<vmem>>) target_semaphore(%arg13 : memref<!tpu.dma_semaphore, #tpu.memory_space<semaphore_mem>>)
        } else {
        }
        %add3A_168 = arith.constant 1 : i32
        %add3A_169 = arith.addi %mul3A_145, %add3A_168 : i32
        %mul3A_170 = arith.constant 49 : i32
        %mul3A_171 = arith.muli %add3A_169, %mul3A_170 : i32
        %dma_wait3A_172 = arith.constant 0 : i32
        %dma_wait3A_173 = tpu.memref_slice %arg2[%mul3A_171, %add3A_18, %dma_wait3A_172] : memref<784x64x384xf32, #tpu.memory_space<hbm>> -> memref<49x1x384xf32, #tpu.memory_space<hbm>>
        %dma_wait3A_174 = arith.constant 0 : i32
        %dma_wait3A_175 = tpu.memref_slice %arg2[%mul3A_171, %add3A_18, %dma_wait3A_174] : memref<784x64x384xf32, #tpu.memory_space<hbm>> -> memref<49x1x384xf32, #tpu.memory_space<hbm>>
        tpu.wait_dma2 semaphore(%arg14 : memref<!tpu.dma_semaphore, #tpu.memory_space<semaphore_mem>>) src(%dma_wait3A_175 : memref<49x1x384xf32, #tpu.memory_space<hbm>>) dst(%arg6 : memref<49x1x384xf32, #tpu.memory_space<vmem>>)
        %scan3A_176 = arith.constant 0 : i32
        %scan3A_177 = arith.constant 24 : i32
        %scan3A_178 = arith.addi %scan3A_176, %scan3A_177 : i32
        %scan3A_179 = arith.constant 1 : i32
        %scan3A_180 = scf.for %scan3A_182 = %scan3A_176 to %scan3A_178 step %scan3A_179 iter_args(%scan3A_183 = %scan3A_164) -> (vector<16xi32>)  : i32 {
          %mul3A_184 = arith.constant 16 : i32
          %mul3A_185 = arith.muli %scan3A_182, %mul3A_184 : i32
          %get3A_186 = arith.index_cast %mul3A_185 : i32 to index
          %get3A_187 = tpu.vector_load %arg10[%get3A_186] {strides = array<i32>} : memref<384xf32, #tpu.memory_space<vmem>>, vector<16xf32>,
          %parallel_loop3A_188 = arith.constant 0 : i32
          %parallel_loop3A_189 = arith.constant 49 : i32
          %parallel_loop3A_190 = arith.constant 1 : i32
          %parallel_loop3A_191 = scf.for %parallel_loop3A_192 = %parallel_loop3A_188 to %parallel_loop3A_189 step %parallel_loop3A_190 iter_args(%parallel_loop3A_193 = %scan3A_183) -> (vector<16xi32>)  : i32 {
            %parallel_loop3A_194 = arith.constant 16 : i32
            %parallel_loop3A_195 = arith.muli %scan3A_182, %parallel_loop3A_194 : i32
            %parallel_loop3A_196 = arith.constant 0 : i32
            %parallel_loop3A_197 = arith.index_cast %parallel_loop3A_192 : i32 to index
            %parallel_loop3A_198 = arith.index_cast %parallel_loop3A_196 : i32 to index
            %parallel_loop3A_199 = arith.index_cast %parallel_loop3A_195 : i32 to index
            %parallel_loop3A_200 = tpu.vector_load %arg6[%parallel_loop3A_197, %parallel_loop3A_198, %parallel_loop3A_199] {strides = array<i32>} : memref<49x1x384xf32, #tpu.memory_space<vmem>>, vector<16xf32>,
            %parallel_loop3A_201 = arith.mulf %parallel_loop3A_200, %get3A_187 : vector<16xf32>
            %parallel_loop3A_202 = vector.bitcast %parallel_loop3A_201 : vector<16xf32> to vector<16xi32>
            %parallel_loop3A_203 = arith.constant 31 : i32
            %parallel_loop3A_204 = vector.broadcast %parallel_loop3A_203 : i32 to vector<16xi32>
            %parallel_loop3A_205 = arith.shrsi %parallel_loop3A_202, %parallel_loop3A_204 : vector<16xi32>
            %parallel_loop3A_206 = arith.constant 2147483647 : i32
            %parallel_loop3A_207 = vector.broadcast %parallel_loop3A_206 : i32 to vector<16xi32>
            %parallel_loop3A_208 = arith.andi %parallel_loop3A_205, %parallel_loop3A_207 : vector<16xi32>
            %parallel_loop3A_209 = arith.xori %parallel_loop3A_202, %parallel_loop3A_208 : vector<16xi32>
            %parallel_loop3A_210 = arith.constant 20 : i32
            %parallel_loop3A_211 = vector.broadcast %parallel_loop3A_210 : i32 to vector<16xi32>
            %parallel_loop3A_212 = arith.shrsi %parallel_loop3A_209, %parallel_loop3A_211 : vector<16xi32>
            %parallel_loop3A_213 = vector.broadcast %sub3A_87 : i32 to vector<16xi32>
            %parallel_loop3A_214 = arith.cmpi eq, %parallel_loop3A_212, %parallel_loop3A_213 : vector<16xi32>
            %parallel_loop3A_215 = arith.constant 1024 : i32
            %parallel_loop3A_216 = vector.broadcast %parallel_loop3A_215 : i32 to vector<16xi32>
            %parallel_loop3A_217 = arith.cmpi slt, %parallel_loop3A_193, %parallel_loop3A_216 : vector<16xi32>
            %parallel_loop3A_218 = arith.andi %parallel_loop3A_214, %parallel_loop3A_217 : vector<16xi1>
            %parallel_loop3A_219 = arith.constant 16 : i32
            %parallel_loop3A_220 = vector.broadcast %parallel_loop3A_219 : i32 to vector<16xi32>
            %parallel_loop3A_221 = arith.muli %parallel_loop3A_193, %parallel_loop3A_220 : vector<16xi32>
            %parallel_loop3A_222 = arith.addi %parallel_loop3A_221, %iota3A : vector<16xi32>
            tpu.vector_store_idx %arg8[%parallel_loop3A_222], %parallel_loop3A_209 masked %parallel_loop3A_218 : memref<16384xi32, #tpu.memory_space<vmem>>[vector<16xi32>], vector<16xi32>, vector<16xi1>
            %parallel_loop3A_223 = arith.constant 1 : i32
            %parallel_loop3A_224 = arith.constant 0 : i32
            %parallel_loop3A_225 = vector.broadcast %parallel_loop3A_223 : i32 to vector<16xi32>
            %parallel_loop3A_226 = vector.broadcast %parallel_loop3A_224 : i32 to vector<16xi32>
            %parallel_loop3A_227 = arith.select %parallel_loop3A_218, %parallel_loop3A_225, %parallel_loop3A_226 : vector<16xi1>, vector<16xi32>
            %parallel_loop3A_228 = arith.addi %parallel_loop3A_193, %parallel_loop3A_227 : vector<16xi32>
            scf.yield %parallel_loop3A_228 : vector<16xi32>
          } {sc.loop_unroll_factor = 7 : i64, sc.parallel_access}
          scf.yield %parallel_loop3A_191 : vector<16xi32>
        }
        %scan3A_181 = arith.constant 24 : i32
        scf.yield %scan3A_180 : vector<16xi32>
      }
      %scan3A_95 = arith.constant 8 : i32
      %reduce_max3A_96 = arith.constant true
      %reduce_max3A_97 = vector.broadcast %reduce_max3A_96 : i1 to vector<16xi1>
      %reduce_max3A_98 = arith.constant -2147483648 : i32
      %reduce_max3A_99 = vector.broadcast %reduce_max3A_98 : i32 to vector<16xi32>
      %reduce_max3A_100 = arith.xori %scan3A_94, %reduce_max3A_99 : vector<16xi32>
      %reduce_max3A_101 = tpu.scan <max>, %reduce_max3A_100 masked %reduce_max3A_97 : vector<16xi32>, vector<16xi1> -> vector<16xi32>
      %reduce_max3A_102 = arith.xori %reduce_max3A_101, %reduce_max3A_99 : vector<16xi32>
      %reduce_max3A_103 = vector.extract %reduce_max3A_102[15] : i32 from vector<16xi32>
      %dma_start3A_104 = arith.constant 0 : i32
      %dma_start3A_105 = arith.constant 0 : i32
      %dma_start3A_106 = tpu.memref_slice %arg2[%dma_start3A_104, %add3A_18, %dma_start3A_105] : memref<784x64x384xf32, #tpu.memory_space<hbm>> -> memref<49x1x384xf32, #tpu.memory_space<hbm>>
      %dma_start3A_107 = arith.constant 0 : i32
      %dma_start3A_108 = arith.constant 0 : i32
      %dma_start3A_109 = tpu.memref_slice %arg2[%dma_start3A_107, %add3A_18, %dma_start3A_108] : memref<784x64x384xf32, #tpu.memory_space<hbm>> -> memref<49x1x384xf32, #tpu.memory_space<hbm>>
      tpu.enqueue_dma source(%dma_start3A_109 : memref<49x1x384xf32, #tpu.memory_space<hbm>>) target(%arg5 : memref<49x1x384xf32, #tpu.memory_space<vmem>>) target_semaphore(%arg13 : memref<!tpu.dma_semaphore, #tpu.memory_space<semaphore_mem>>)
      %dma_start3A_110 = arith.constant 49 : i32
      %dma_start3A_111 = arith.constant 0 : i32
      %dma_start3A_112 = tpu.memref_slice %arg2[%dma_start3A_110, %add3A_18, %dma_start3A_111] : memref<784x64x384xf32, #tpu.memory_space<hbm>> -> memref<49x1x384xf32, #tpu.memory_space<hbm>>
      %dma_start3A_113 = arith.constant 49 : i32
      %dma_start3A_114 = arith.constant 0 : i32
      %dma_start3A_115 = tpu.memref_slice %arg2[%dma_start3A_113, %add3A_18, %dma_start3A_114] : memref<784x64x384xf32, #tpu.memory_space<hbm>> -> memref<49x1x384xf32, #tpu.memory_space<hbm>>
      tpu.enqueue_dma source(%dma_start3A_115 : memref<49x1x384xf32, #tpu.memory_space<hbm>>) target(%arg6 : memref<49x1x384xf32, #tpu.memory_space<vmem>>) target_semaphore(%arg14 : memref<!tpu.dma_semaphore, #tpu.memory_space<semaphore_mem>>)
      %shift_left3A = arith.constant 20 : i32
      %shift_left3A_116 = arith.shli %sub3A_87, %shift_left3A : i32
      %scan3A_117 = arith.constant 0 : i32
      %scan3A_118 = arith.constant 20 : i32
      %scan3A_119 = arith.addi %scan3A_117, %scan3A_118 : i32
      %scan3A_120 = arith.constant 1 : i32
      %scan3A_121 = scf.for %scan3A_142 = %scan3A_117 to %scan3A_119 step %scan3A_120 iter_args(%scan3A_143 = %shift_left3A_116) -> (i32)  : i32 {
        %sub3A_144 = arith.constant 19 : i32
        %sub3A_145 = arith.subi %sub3A_144, %scan3A_142 : i32
        %shift_left3A_146 = arith.constant 1 : i32
        %shift_left3A_147 = arith.shli %shift_left3A_146, %sub3A_145 : i32
        %add3A_148 = arith.addi %scan3A_143, %shift_left3A_147 : i32
        %broadcast_in_dim3A_149 = arith.constant 0 : i32
        %broadcast_in_dim3A_150 = vector.broadcast %broadcast_in_dim3A_149 : i32 to vector<16xi32>
        %parallel_loop3A_151 = arith.constant 0 : i32
        %parallel_loop3A_152 = arith.constant 1 : i32
        %parallel_loop3A_153 = scf.for %parallel_loop3A_162 = %parallel_loop3A_151 to %reduce_max3A_103 step %parallel_loop3A_152 iter_args(%parallel_loop3A_163 = %broadcast_in_dim3A_150) -> (vector<16xi32>)  : i32 {
          %parallel_loop3A_164 = arith.constant 16 : i32
          %parallel_loop3A_165 = arith.muli %parallel_loop3A_162, %parallel_loop3A_164 : i32
          %parallel_loop3A_166 = arith.index_cast %parallel_loop3A_165 : i32 to index
          %parallel_loop3A_167 = tpu.vector_load %arg8[%parallel_loop3A_166] {strides = array<i32>} : memref<16384xi32, #tpu.memory_space<vmem>>, vector<16xi32>,
          %parallel_loop3A_168 = vector.broadcast %parallel_loop3A_162 : i32 to vector<16xi32>
          %parallel_loop3A_169 = arith.cmpi slt, %parallel_loop3A_168, %scan3A_94 : vector<16xi32>
          %parallel_loop3A_170 = vector.broadcast %add3A_148 : i32 to vector<16xi32>
          %parallel_loop3A_171 = arith.cmpi sge, %parallel_loop3A_167, %parallel_loop3A_170 : vector<16xi32>
          %parallel_loop3A_172 = arith.andi %parallel_loop3A_169, %parallel_loop3A_171 : vector<16xi1>
          %parallel_loop3A_173 = arith.constant 1 : i32
          %parallel_loop3A_174 = arith.constant 0 : i32
          %parallel_loop3A_175 = vector.broadcast %parallel_loop3A_173 : i32 to vector<16xi32>
          %parallel_loop3A_176 = vector.broadcast %parallel_loop3A_174 : i32 to vector<16xi32>
          %parallel_loop3A_177 = arith.select %parallel_loop3A_172, %parallel_loop3A_175, %parallel_loop3A_176 : vector<16xi1>, vector<16xi32>
          %parallel_loop3A_178 = arith.addi %parallel_loop3A_163, %parallel_loop3A_177 : vector<16xi32>
          scf.yield %parallel_loop3A_178 : vector<16xi32>
        } {sc.loop_unroll_factor = 1 : i64, sc.parallel_access}
        %reduce_sum3A_154 = arith.constant true
        %reduce_sum3A_155 = vector.broadcast %reduce_sum3A_154 : i1 to vector<16xi1>
        %reduce_sum3A_156 = tpu.scan <sum>, %parallel_loop3A_153 masked %reduce_sum3A_155 : vector<16xi32>, vector<16xi1> -> vector<16xi32>
        %reduce_sum3A_157 = vector.extract %reduce_sum3A_156[15] : i32 from vector<16xi32>
        %add3A_158 = arith.addi %add3A_85, %reduce_sum3A_157 : i32
        %ge3A_159 = arith.constant 30105 : i32
        %ge3A_160 = arith.cmpi sge, %add3A_158, %ge3A_159 : i32
        %select_n3A_161 = arith.select %ge3A_160, %add3A_148, %scan3A_143 : i32
        scf.yield %select_n3A_161 : i32
      }
      %scan3A_122 = arith.constant 20 : i32
      %scan3A_123 = arith.constant 0 : i32
      %scan3A_124 = arith.constant 0 : i32
      %scan3A_125 = arith.constant 8 : i32
      %scan3A_126 = arith.addi %scan3A_124, %scan3A_125 : i32
      %scan3A_127 = arith.constant 1 : i32
      %scan3A_128 = scf.for %scan3A_142 = %scan3A_124 to %scan3A_126 step %scan3A_127 iter_args(%scan3A_143 = %scan3A_123) -> (i32)  : i32 {
        %mul3A_144 = arith.constant 2 : i32
        %mul3A_145 = arith.muli %scan3A_142, %mul3A_144 : i32
        %mul3A_146 = arith.constant 49 : i32
        %mul3A_147 = arith.muli %mul3A_145, %mul3A_146 : i32
        %dma_wait3A_148 = arith.constant 0 : i32
        %dma_wait3A_149 = tpu.memref_slice %arg2[%mul3A_147, %add3A_18, %dma_wait3A_148] : memref<784x64x384xf32, #tpu.memory_space<hbm>> -> memref<49x1x384xf32, #tpu.memory_space<hbm>>
        %dma_wait3A_150 = arith.constant 0 : i32
        %dma_wait3A_151 = tpu.memref_slice %arg2[%mul3A_147, %add3A_18, %dma_wait3A_150] : memref<784x64x384xf32, #tpu.memory_space<hbm>> -> memref<49x1x384xf32, #tpu.memory_space<hbm>>
        tpu.wait_dma2 semaphore(%arg13 : memref<!tpu.dma_semaphore, #tpu.memory_space<semaphore_mem>>) src(%dma_wait3A_151 : memref<49x1x384xf32, #tpu.memory_space<hbm>>) dst(%arg5 : memref<49x1x384xf32, #tpu.memory_space<vmem>>)
        %scan3A_152 = arith.constant 0 : i32
        %scan3A_153 = arith.constant 0 : i32
        %scan3A_154 = arith.constant 24 : i32
        %scan3A_155 = arith.addi %scan3A_153, %scan3A_154 : i32
        %scan3A_156 = arith.constant 1 : i32
        %scan3A_157 = scf.for %scan3A_191 = %scan3A_153 to %scan3A_155 step %scan3A_156 iter_args(%scan3A_192 = %scan3A_152) -> (i32)  : i32 {
          %mul3A_193 = arith.constant 16 : i32
          %mul3A_194 = arith.muli %scan3A_191, %mul3A_193 : i32
          %get3A_195 = arith.index_cast %mul3A_194 : i32 to index
          %get3A_196 = tpu.vector_load %arg10[%get3A_195] {strides = array<i32>} : memref<384xf32, #tpu.memory_space<vmem>>, vector<16xf32>,
          %parallel_loop3A_197 = arith.constant 0 : i32
          %parallel_loop3A_198 = arith.constant 49 : i32
          %parallel_loop3A_199 = arith.constant 1 : i32
          scf.for %parallel_loop3A_201 = %parallel_loop3A_197 to %parallel_loop3A_198 step %parallel_loop3A_199  : i32 {
            %parallel_loop3A_202 = arith.constant 16 : i32
            %parallel_loop3A_203 = arith.muli %scan3A_191, %parallel_loop3A_202 : i32
            %parallel_loop3A_204 = arith.constant 0 : i32
            %parallel_loop3A_205 = arith.index_cast %parallel_loop3A_201 : i32 to index
            %parallel_loop3A_206 = arith.index_cast %parallel_loop3A_204 : i32 to index
            %parallel_loop3A_207 = arith.index_cast %parallel_loop3A_203 : i32 to index
            %parallel_loop3A_208 = tpu.vector_load %arg5[%parallel_loop3A_205, %parallel_loop3A_206, %parallel_loop3A_207] {strides = array<i32>} : memref<49x1x384xf32, #tpu.memory_space<vmem>>, vector<16xf32>,
            %parallel_loop3A_209 = arith.mulf %parallel_loop3A_208, %get3A_196 : vector<16xf32>
            %parallel_loop3A_210 = vector.bitcast %parallel_loop3A_209 : vector<16xf32> to vector<16xi32>
            %parallel_loop3A_211 = arith.constant 31 : i32
            %parallel_loop3A_212 = vector.broadcast %parallel_loop3A_211 : i32 to vector<16xi32>
            %parallel_loop3A_213 = arith.shrsi %parallel_loop3A_210, %parallel_loop3A_212 : vector<16xi32>
            %parallel_loop3A_214 = arith.constant 2147483647 : i32
            %parallel_loop3A_215 = vector.broadcast %parallel_loop3A_214 : i32 to vector<16xi32>
            %parallel_loop3A_216 = arith.andi %parallel_loop3A_213, %parallel_loop3A_215 : vector<16xi32>
            %parallel_loop3A_217 = arith.xori %parallel_loop3A_210, %parallel_loop3A_216 : vector<16xi32>
            %parallel_loop3A_218 = vector.broadcast %scan3A_121 : i32 to vector<16xi32>
            %parallel_loop3A_219 = arith.cmpi sge, %parallel_loop3A_217, %parallel_loop3A_218 : vector<16xi32>
            %parallel_loop3A_220 = arith.constant 0.000000e+00 : f32
            %parallel_loop3A_221 = vector.broadcast %parallel_loop3A_220 : f32 to vector<16xf32>
            %parallel_loop3A_222 = arith.select %parallel_loop3A_219, %parallel_loop3A_208, %parallel_loop3A_221 : vector<16xi1>, vector<16xf32>
            %parallel_loop3A_223 = arith.constant 16 : i32
            %parallel_loop3A_224 = arith.muli %scan3A_191, %parallel_loop3A_223 : i32
            %parallel_loop3A_225 = arith.constant 0 : i32
            %parallel_loop3A_226 = arith.index_cast %parallel_loop3A_201 : i32 to index
            %parallel_loop3A_227 = arith.index_cast %parallel_loop3A_225 : i32 to index
            %parallel_loop3A_228 = arith.index_cast %parallel_loop3A_224 : i32 to index
            %parallel_loop3A_229 = tpu.vector_load %arg5[%parallel_loop3A_226, %parallel_loop3A_227, %parallel_loop3A_228] {strides = array<i32>} : memref<49x1x384xf32, #tpu.memory_space<vmem>>, vector<16xf32>,
            tpu.vector_store %arg5[%parallel_loop3A_226, %parallel_loop3A_227, %parallel_loop3A_228], %parallel_loop3A_222 {strides = array<i32>} : memref<49x1x384xf32, #tpu.memory_space<vmem>>, vector<16xf32>,
          } {sc.loop_unroll_factor = 7 : i64, sc.parallel_access}
          %scan3A_200 = arith.constant 0 : i32
          scf.yield %scan3A_200 : i32
        }
        %scan3A_158 = arith.constant 24 : i32
        %mul3A_159 = arith.constant 49 : i32
        %mul3A_160 = arith.muli %mul3A_145, %mul3A_159 : i32
        %dma_start3A_161 = arith.constant 0 : i32
        %dma_start3A_162 = tpu.memref_slice %arg4[%mul3A_160, %add3A_18, %dma_start3A_161] : memref<784x64x384xf32, #tpu.memory_space<hbm>> -> memref<49x1x384xf32, #tpu.memory_space<hbm>>
        %dma_start3A_163 = arith.constant 0 : i32
        %dma_start3A_164 = tpu.memref_slice %arg4[%mul3A_160, %add3A_18, %dma_start3A_163] : memref<784x64x384xf32, #tpu.memory_space<hbm>> -> memref<49x1x384xf32, #tpu.memory_space<hbm>>
        tpu.enqueue_dma source(%arg5 : memref<49x1x384xf32, #tpu.memory_space<vmem>>) target(%dma_start3A_164 : memref<49x1x384xf32, #tpu.memory_space<hbm>>) target_semaphore(%arg15 : memref<!tpu.dma_semaphore, #tpu.memory_space<semaphore_mem>>)
        %add3A_165 = arith.constant 1 : i32
        %add3A_166 = arith.addi %mul3A_145, %add3A_165 : i32
        %mul3A_167 = arith.constant 49 : i32
        %mul3A_168 = arith.muli %add3A_166, %mul3A_167 : i32
        %dma_wait3A_169 = arith.constant 0 : i32
        %dma_wait3A_170 = tpu.memref_slice %arg2[%mul3A_168, %add3A_18, %dma_wait3A_169] : memref<784x64x384xf32, #tpu.memory_space<hbm>> -> memref<49x1x384xf32, #tpu.memory_space<hbm>>
        %dma_wait3A_171 = arith.constant 0 : i32
        %dma_wait3A_172 = tpu.memref_slice %arg2[%mul3A_168, %add3A_18, %dma_wait3A_171] : memref<784x64x384xf32, #tpu.memory_space<hbm>> -> memref<49x1x384xf32, #tpu.memory_space<hbm>>
        tpu.wait_dma2 semaphore(%arg14 : memref<!tpu.dma_semaphore, #tpu.memory_space<semaphore_mem>>) src(%dma_wait3A_172 : memref<49x1x384xf32, #tpu.memory_space<hbm>>) dst(%arg6 : memref<49x1x384xf32, #tpu.memory_space<vmem>>)
        %scan3A_173 = arith.constant 0 : i32
        %scan3A_174 = arith.constant 0 : i32
        %scan3A_175 = arith.constant 24 : i32
        %scan3A_176 = arith.addi %scan3A_174, %scan3A_175 : i32
        %scan3A_177 = arith.constant 1 : i32
        %scan3A_178 = scf.for %scan3A_191 = %scan3A_174 to %scan3A_176 step %scan3A_177 iter_args(%scan3A_192 = %scan3A_173) -> (i32)  : i32 {
          %mul3A_193 = arith.constant 16 : i32
          %mul3A_194 = arith.muli %scan3A_191, %mul3A_193 : i32
          %get3A_195 = arith.index_cast %mul3A_194 : i32 to index
          %get3A_196 = tpu.vector_load %arg10[%get3A_195] {strides = array<i32>} : memref<384xf32, #tpu.memory_space<vmem>>, vector<16xf32>,
          %parallel_loop3A_197 = arith.constant 0 : i32
          %parallel_loop3A_198 = arith.constant 49 : i32
          %parallel_loop3A_199 = arith.constant 1 : i32
          scf.for %parallel_loop3A_201 = %parallel_loop3A_197 to %parallel_loop3A_198 step %parallel_loop3A_199  : i32 {
            %parallel_loop3A_202 = arith.constant 16 : i32
            %parallel_loop3A_203 = arith.muli %scan3A_191, %parallel_loop3A_202 : i32
            %parallel_loop3A_204 = arith.constant 0 : i32
            %parallel_loop3A_205 = arith.index_cast %parallel_loop3A_201 : i32 to index
            %parallel_loop3A_206 = arith.index_cast %parallel_loop3A_204 : i32 to index
            %parallel_loop3A_207 = arith.index_cast %parallel_loop3A_203 : i32 to index
            %parallel_loop3A_208 = tpu.vector_load %arg6[%parallel_loop3A_205, %parallel_loop3A_206, %parallel_loop3A_207] {strides = array<i32>} : memref<49x1x384xf32, #tpu.memory_space<vmem>>, vector<16xf32>,
            %parallel_loop3A_209 = arith.mulf %parallel_loop3A_208, %get3A_196 : vector<16xf32>
            %parallel_loop3A_210 = vector.bitcast %parallel_loop3A_209 : vector<16xf32> to vector<16xi32>
            %parallel_loop3A_211 = arith.constant 31 : i32
            %parallel_loop3A_212 = vector.broadcast %parallel_loop3A_211 : i32 to vector<16xi32>
            %parallel_loop3A_213 = arith.shrsi %parallel_loop3A_210, %parallel_loop3A_212 : vector<16xi32>
            %parallel_loop3A_214 = arith.constant 2147483647 : i32
            %parallel_loop3A_215 = vector.broadcast %parallel_loop3A_214 : i32 to vector<16xi32>
            %parallel_loop3A_216 = arith.andi %parallel_loop3A_213, %parallel_loop3A_215 : vector<16xi32>
            %parallel_loop3A_217 = arith.xori %parallel_loop3A_210, %parallel_loop3A_216 : vector<16xi32>
            %parallel_loop3A_218 = vector.broadcast %scan3A_121 : i32 to vector<16xi32>
            %parallel_loop3A_219 = arith.cmpi sge, %parallel_loop3A_217, %parallel_loop3A_218 : vector<16xi32>
            %parallel_loop3A_220 = arith.constant 0.000000e+00 : f32
            %parallel_loop3A_221 = vector.broadcast %parallel_loop3A_220 : f32 to vector<16xf32>
            %parallel_loop3A_222 = arith.select %parallel_loop3A_219, %parallel_loop3A_208, %parallel_loop3A_221 : vector<16xi1>, vector<16xf32>
            %parallel_loop3A_223 = arith.constant 16 : i32
            %parallel_loop3A_224 = arith.muli %scan3A_191, %parallel_loop3A_223 : i32
            %parallel_loop3A_225 = arith.constant 0 : i32
            %parallel_loop3A_226 = arith.index_cast %parallel_loop3A_201 : i32 to index
            %parallel_loop3A_227 = arith.index_cast %parallel_loop3A_225 : i32 to index
            %parallel_loop3A_228 = arith.index_cast %parallel_loop3A_224 : i32 to index
            %parallel_loop3A_229 = tpu.vector_load %arg6[%parallel_loop3A_226, %parallel_loop3A_227, %parallel_loop3A_228] {strides = array<i32>} : memref<49x1x384xf32, #tpu.memory_space<vmem>>, vector<16xf32>,
            tpu.vector_store %arg6[%parallel_loop3A_226, %parallel_loop3A_227, %parallel_loop3A_228], %parallel_loop3A_222 {strides = array<i32>} : memref<49x1x384xf32, #tpu.memory_space<vmem>>, vector<16xf32>,
          } {sc.loop_unroll_factor = 7 : i64, sc.parallel_access}
          %scan3A_200 = arith.constant 0 : i32
          scf.yield %scan3A_200 : i32
        }
        %scan3A_179 = arith.constant 24 : i32
        %add3A_180 = arith.constant 1 : i32
        %add3A_181 = arith.addi %mul3A_145, %add3A_180 : i32
        %mul3A_182 = arith.constant 49 : i32
        %mul3A_183 = arith.muli %add3A_181, %mul3A_182 : i32
        %dma_start3A_184 = arith.constant 0 : i32
        %dma_start3A_185 = tpu.memref_slice %arg4[%mul3A_183, %add3A_18, %dma_start3A_184] : memref<784x64x384xf32, #tpu.memory_space<hbm>> -> memref<49x1x384xf32, #tpu.memory_space<hbm>>
        %dma_start3A_186 = arith.constant 0 : i32
        %dma_start3A_187 = tpu.memref_slice %arg4[%mul3A_183, %add3A_18, %dma_start3A_186] : memref<784x64x384xf32, #tpu.memory_space<hbm>> -> memref<49x1x384xf32, #tpu.memory_space<hbm>>
        tpu.enqueue_dma source(%arg6 : memref<49x1x384xf32, #tpu.memory_space<vmem>>) target(%dma_start3A_187 : memref<49x1x384xf32, #tpu.memory_space<hbm>>) target_semaphore(%arg16 : memref<!tpu.dma_semaphore, #tpu.memory_space<semaphore_mem>>)
        %lt3A = arith.constant 7 : i32
        %lt3A_188 = arith.cmpi slt, %scan3A_142, %lt3A : i32
        %convert_element_type3A = arith.extui %lt3A_188 : i1 to i32
        %cond3A = arith.constant 0 : i32
        %cond3A_189 = arith.cmpi ne, %convert_element_type3A, %cond3A : i32
        scf.if %cond3A_189 {
          %mul3A_191 = arith.constant 49 : i32
          %mul3A_192 = arith.muli %mul3A_145, %mul3A_191 : i32
          %dma_wait3A_193 = arith.constant 0 : i32
          %dma_wait3A_194 = tpu.memref_slice %arg4[%mul3A_192, %add3A_18, %dma_wait3A_193] : memref<784x64x384xf32, #tpu.memory_space<hbm>> -> memref<49x1x384xf32, #tpu.memory_space<hbm>>
          %dma_wait3A_195 = arith.constant 0 : i32
          %dma_wait3A_196 = tpu.memref_slice %arg4[%mul3A_192, %add3A_18, %dma_wait3A_195] : memref<784x64x384xf32, #tpu.memory_space<hbm>> -> memref<49x1x384xf32, #tpu.memory_space<hbm>>
          tpu.wait_dma2 semaphore(%arg15 : memref<!tpu.dma_semaphore, #tpu.memory_space<semaphore_mem>>) src(%arg5 : memref<49x1x384xf32, #tpu.memory_space<vmem>>) dst(%dma_wait3A_196 : memref<49x1x384xf32, #tpu.memory_space<hbm>>)
          %add3A_197 = arith.constant 2 : i32
          %add3A_198 = arith.addi %mul3A_145, %add3A_197 : i32
          %mul3A_199 = arith.constant 49 : i32
          %mul3A_200 = arith.muli %add3A_198, %mul3A_199 : i32
          %dma_start3A_201 = arith.constant 0 : i32
          %dma_start3A_202 = tpu.memref_slice %arg2[%mul3A_200, %add3A_18, %dma_start3A_201] : memref<784x64x384xf32, #tpu.memory_space<hbm>> -> memref<49x1x384xf32, #tpu.memory_space<hbm>>
          %dma_start3A_203 = arith.constant 0 : i32
          %dma_start3A_204 = tpu.memref_slice %arg2[%mul3A_200, %add3A_18, %dma_start3A_203] : memref<784x64x384xf32, #tpu.memory_space<hbm>> -> memref<49x1x384xf32, #tpu.memory_space<hbm>>
          tpu.enqueue_dma source(%dma_start3A_204 : memref<49x1x384xf32, #tpu.memory_space<hbm>>) target(%arg5 : memref<49x1x384xf32, #tpu.memory_space<vmem>>) target_semaphore(%arg13 : memref<!tpu.dma_semaphore, #tpu.memory_space<semaphore_mem>>)
          %add3A_205 = arith.constant 1 : i32
          %add3A_206 = arith.addi %mul3A_145, %add3A_205 : i32
          %mul3A_207 = arith.constant 49 : i32
          %mul3A_208 = arith.muli %add3A_206, %mul3A_207 : i32
          %dma_wait3A_209 = arith.constant 0 : i32
          %dma_wait3A_210 = tpu.memref_slice %arg4[%mul3A_208, %add3A_18, %dma_wait3A_209] : memref<784x64x384xf32, #tpu.memory_space<hbm>> -> memref<49x1x384xf32, #tpu.memory_space<hbm>>
          %dma_wait3A_211 = arith.constant 0 : i32
          %dma_wait3A_212 = tpu.memref_slice %arg4[%mul3A_208, %add3A_18, %dma_wait3A_211] : memref<784x64x384xf32, #tpu.memory_space<hbm>> -> memref<49x1x384xf32, #tpu.memory_space<hbm>>
          tpu.wait_dma2 semaphore(%arg16 : memref<!tpu.dma_semaphore, #tpu.memory_space<semaphore_mem>>) src(%arg6 : memref<49x1x384xf32, #tpu.memory_space<vmem>>) dst(%dma_wait3A_212 : memref<49x1x384xf32, #tpu.memory_space<hbm>>)
          %add3A_213 = arith.constant 3 : i32
          %add3A_214 = arith.addi %mul3A_145, %add3A_213 : i32
          %mul3A_215 = arith.constant 49 : i32
          %mul3A_216 = arith.muli %add3A_214, %mul3A_215 : i32
          %dma_start3A_217 = arith.constant 0 : i32
          %dma_start3A_218 = tpu.memref_slice %arg2[%mul3A_216, %add3A_18, %dma_start3A_217] : memref<784x64x384xf32, #tpu.memory_space<hbm>> -> memref<49x1x384xf32, #tpu.memory_space<hbm>>
          %dma_start3A_219 = arith.constant 0 : i32
          %dma_start3A_220 = tpu.memref_slice %arg2[%mul3A_216, %add3A_18, %dma_start3A_219] : memref<784x64x384xf32, #tpu.memory_space<hbm>> -> memref<49x1x384xf32, #tpu.memory_space<hbm>>
          tpu.enqueue_dma source(%dma_start3A_220 : memref<49x1x384xf32, #tpu.memory_space<hbm>>) target(%arg6 : memref<49x1x384xf32, #tpu.memory_space<vmem>>) target_semaphore(%arg14 : memref<!tpu.dma_semaphore, #tpu.memory_space<semaphore_mem>>)
        } else {
        }
        %scan3A_190 = arith.constant 0 : i32
        scf.yield %scan3A_190 : i32
      }
      %scan3A_129 = arith.constant 8 : i32
      %dma_wait3A = arith.constant 686 : i32
      %dma_wait3A_130 = arith.constant 0 : i32
      %dma_wait3A_131 = tpu.memref_slice %arg4[%dma_wait3A, %add3A_18, %dma_wait3A_130] : memref<784x64x384xf32, #tpu.memory_space<hbm>> -> memref<49x1x384xf32, #tpu.memory_space<hbm>>
      %dma_wait3A_132 = arith.constant 686 : i32
      %dma_wait3A_133 = arith.constant 0 : i32
      %dma_wait3A_134 = tpu.memref_slice %arg4[%dma_wait3A_132, %add3A_18, %dma_wait3A_133] : memref<784x64x384xf32, #tpu.memory_space<hbm>> -> memref<49x1x384xf32, #tpu.memory_space<hbm>>
      tpu.wait_dma2 semaphore(%arg15 : memref<!tpu.dma_semaphore, #tpu.memory_space<semaphore_mem>>) src(%arg5 : memref<49x1x384xf32, #tpu.memory_space<vmem>>) dst(%dma_wait3A_134 : memref<49x1x384xf32, #tpu.memory_space<hbm>>)
      %dma_wait3A_135 = arith.constant 735 : i32
      %dma_wait3A_136 = arith.constant 0 : i32
      %dma_wait3A_137 = tpu.memref_slice %arg4[%dma_wait3A_135, %add3A_18, %dma_wait3A_136] : memref<784x64x384xf32, #tpu.memory_space<hbm>> -> memref<49x1x384xf32, #tpu.memory_space<hbm>>
      %dma_wait3A_138 = arith.constant 735 : i32
      %dma_wait3A_139 = arith.constant 0 : i32
      %dma_wait3A_140 = tpu.memref_slice %arg4[%dma_wait3A_138, %add3A_18, %dma_wait3A_139] : memref<784x64x384xf32, #tpu.memory_space<hbm>> -> memref<49x1x384xf32, #tpu.memory_space<hbm>>
      tpu.wait_dma2 semaphore(%arg16 : memref<!tpu.dma_semaphore, #tpu.memory_space<semaphore_mem>>) src(%arg6 : memref<49x1x384xf32, #tpu.memory_space<vmem>>) dst(%dma_wait3A_140 : memref<49x1x384xf32, #tpu.memory_space<hbm>>)
      %scan3A_141 = arith.constant 0 : i32
      scf.yield %scan3A_141 : i32
    }
    %scan3A_13 = arith.constant 2 : i32
    return
  }
}

</mosaic_0001>

<sc_bundles>
// kernel: kernel.3.cloned.1.call-start
scs
__scs_entry_jumppad:
0x0: {  	(pc) =	sbr.rel $0x88, $3  }
0x1: {  	(tag) =	ssettag $0x0;
	lr =	simm.s32 $0x1  }
0x2: {  	[smem:$0x3F9F] =	sst lr;
	_ =	strace $0xD0000000  }
0x3: {  	_ = 	snop  }
0x4: {  	_ = 	snop  }
0x5: {  	_ = 	snop  }
0x6: {  	_ = 	snop  }
0x7: {  	_ = 	snop  }
__scs_overlays_trampoline_lowered:
0x8: {  	[smem:$0x3FAE] =	sst s0  }
0x9: {  	[smem:$0x3FAF] =	sst s1  }
0xa: {  	[smem:$0x3FB0] =	sst s2  }
0xb: {  	[smem:$0x3FB1] =	sst s3  }
0xc: {  	[smem:$0x3FB2] =	sst s4  }
0xd: {  	[smem:$0x3FB3] =	sst s5  }
0xe: {  	[smem:$0x3FB4] =	sst s6  }
0xf: {  	[smem:$0x3FB5] =	sst s7  }
0x10: {  	[smem:$0x3FB6] =	sst s8  }
0x11: {  	[smem:$0x3FB7] =	sst s9;
	s0 =	simm.s32 @!p0 $0x0  }
0x12: {  	s1 =	sld [smem:$0x3F9D];
	s0 =	simm.s32 @p0 $0x1  }
0x13: {  	[smem:$0x3FB8] =	sst s0;
	s0 =	simm.s32 @!p1 $0x0  }
0x14: {  	s2 =	sld [smem:$0x3F9C];
	s0 =	simm.s32 @p1 $0x1  }
0x15: {  	[smem:$0x3FB9] =	sst s0;
	s0 =	simm.s32 @!p2 $0x0  }
0x16: {  	s3 =	sld [smem:$0x3FDB];
	s0 =	simm.s32 @p2 $0x1  }
0x17: {  	s4 =	simm.s32 $0x1BF5;
	[smem:$0x3FBB] =	sst s0  }
0x18: {  	s0 =	sld [smem:$0x3F9E];
	_ =	swait.ge [sflag:s4], $0x0  }
0x19: {  	s7 =	sld [smem:$0x3F9F]  }
0x1a: {  	s8 =	sadd.s32 $0xFFFFE003, lr  }
0x1b: {  	s9 =	sadd.s32 $0xFFFFFEF7, lr;
	s5 =	simm.s32 $0xFFFFFFFF;
	p2 =	slt.u32 s8, $0xFFFFF086  }
0x1c: {  	p1 =	slt.u32 s9, $0xF7A;
	s5 =	simm.s32 @!p2 $0x0  }
0x1d: {  	s5 =	simm.s32 @p1 $0x1;
	p0 =	seq.s32 s7, s2  }
0x1e: {  	s7 =	smul.u32 @!p0 $0xF7A, s2;
	p2 =	seq.s32 @!p0 s5, $0x0  }
0x1f: {  	s9 =	smul.u32 $0xF7A, s1;
	s8 =	simm.s32 @!p0 $0x1BF5;
	p2 =	por !p2, p0  }
0x20: {  	[sflag:s8] =	ssyncset.s32 @!p0 $0xFFFFF086;
	s6 =	sadd.s32 @!p0 s3, s7;
	s7 =	simm.s32 @!p0 $0x108  }
0x21: {  	s3 =	sadd.s32 s3, s9;
	s6 =	sadd.s32 @!p0 $0x88, s6;
	s7 =	simm.s32 @p2 $0x1082  }
0x22: {  	[simem:s7], [sflag:s8] =	dma.local @!p0 [hbm:s6], $0xF7A  }
0x23: {  	s9 =	sor.u32 $0xD0000000, s2;
	s6 =	simm.s32 $0x108;
	_ =	swait.ge @!p0 [sflag:s8], $0x0  }
0x24: {  	s3 =	sadd.s32 $0x88, s3;
	s6 =	simm.s32 @!p1 $0x1082;
	[sflag:s4] =	ssyncset.s32 $0xFFFFF086  }
0x25: {  	[simem:s6], [sflag:s4] =	dma.local [hbm:s3], $0xF7A  }
0x26: {  	[smem:$0x3F9F] =	sst s1;
	(tag) =	ssettag s2;
	_ =	strace s9  }
0x27: {  	s1 =	sld [smem:$0x3FAF]  }
0x28: {  	s2 =	sld [smem:$0x3FB0]  }
0x29: {  	s4 =	sld [smem:$0x3FB2]  }
0x2a: {  	p0 =	seq.s32 s5, $0x0;
	s5 =	sld [smem:$0x3FB3]  }
0x2b: {  	s6 =	sld [smem:$0x3FB4]  }
0x2c: {  	s7 =	sld [smem:$0x3FB5]  }
0x2d: {  	s3 =	simm.s32 $0x108;
	s8 =	sld [smem:$0x3FB6]  }
0x2e: {  	s3 =	simm.s32 @!p0 $0x1082;
	s9 =	sld [smem:$0x3FB7]  }
0x2f: {  	lr =	sadd.s32 s0, s3;
	s0 =	sld [smem:$0x3FAE]  }
0x30: {  	s3 =	sld [smem:$0x3FB1]  }
0x31: {  	[smem:$0x3FBA] =	sst s10  }
0x32: {  	s10 =	sld [smem:$0x3FB8];
	_ =	sdelay $0x3  }
0x33: {  	p0 =	seq.s32 s10, $0x1;
	s10 =	sld [smem:$0x3FBA];
	_ =	sdelay $0x3  }
0x34: {  	[smem:$0x3FBA] =	sst s10  }
0x35: {  	s10 =	sld [smem:$0x3FB9];
	_ =	sdelay $0x3  }
0x36: {  	p1 =	seq.s32 s10, $0x1;
	s10 =	sld [smem:$0x3FBA];
	_ =	sdelay $0x3  }
0x37: {  	[smem:$0x3FBA] =	sst s10  }
0x38: {  	s10 =	sld [smem:$0x3FBB]  }
0x39: {  	_ = 	snop;
	(pc) =	sbr.ind lr, $3  }
0x3a: {  	_ = 	snop  }
0x3b: {  	_ = 	snop  }
0x3c: {  	p2 =	seq.s32 s10, $0x1;
	s10 =	sld [smem:$0x3FBA]  }
0x3d: {  	_ =	shalt  }
0x3e: {  	_ =	shalt  }
0x3f: {  	_ =	shalt  }
0x40: {  	_ =	shalt  }
0x41: {  	_ =	shalt  }
0x42: {  	_ =	shalt  }
0x43: {  	_ =	shalt  }
0x44: {  	_ =	shalt  }
0x45: {  	_ =	shalt  }
0x46: {  	_ =	shalt  }
0x47: {  	_ =	shalt  }
0x48: {  	_ =	shalt  }
0x49: {  	_ =	shalt  }
0x4a: {  	_ =	shalt  }
0x4b: {  	_ =	shalt  }
0x4c: {  	_ =	shalt  }
0x4d: {  	_ =	shalt  }
0x4e: {  	_ =	shalt  }
0x4f: {  	_ =	shalt  }
0x50: {  	_ =	shalt  }
0x51: {  	_ =	shalt  }
0x52: {  	_ =	shalt  }
0x53: {  	_ =	shalt  }
0x54: {  	_ =	shalt  }
0x55: {  	_ =	shalt  }
0x56: {  	_ =	shalt  }
0x57: {  	_ =	shalt  }
0x58: {  	_ =	shalt  }
0x59: {  	_ =	shalt  }
0x5a: {  	_ =	shalt  }
0x5b: {  	_ =	shalt  }
0x5c: {  	_ =	shalt  }
0x5d: {  	_ =	shalt  }
0x5e: {  	_ =	shalt  }
0x5f: {  	_ =	shalt  }
0x60: {  	_ =	shalt  }
0x61: {  	_ =	shalt  }
0x62: {  	_ =	shalt  }
0x63: {  	_ =	shalt  }
0x64: {  	_ =	shalt  }
0x65: {  	_ =	shalt  }
0x66: {  	_ =	shalt  }
0x67: {  	_ =	shalt  }
0x68: {  	_ =	shalt  }
0x69: {  	_ =	shalt  }
0x6a: {  	_ =	shalt  }
0x6b: {  	_ =	shalt  }
0x6c: {  	_ =	shalt  }
0x6d: {  	_ =	shalt  }
0x6e: {  	_ =	shalt  }
0x6f: {  	_ =	shalt  }
0x70: {  	_ =	shalt  }
0x71: {  	_ =	shalt  }
0x72: {  	_ =	shalt  }
0x73: {  	_ =	shalt  }
0x74: {  	_ =	shalt  }
0x75: {  	_ =	shalt  }
0x76: {  	_ =	shalt  }
0x77: {  	_ =	shalt  }
0x78: {  	_ =	shalt  }
0x79: {  	_ =	shalt  }
0x7a: {  	_ =	shalt  }
0x7b: {  	_ =	shalt  }
0x7c: {  	_ =	shalt  }
0x7d: {  	_ =	shalt  }
0x7e: {  	_ =	shalt  }
0x7f: {  	_ =	shalt  }
0x80: {  	_ =	shalt  }
0x81: {  	_ =	shalt  }
0x82: {  	_ =	shalt  }
0x83: {  	_ =	shalt  }
0x84: {  	_ =	shalt  }
0x85: {  	_ =	shalt  }
0x86: {  	_ =	shalt  }
0x87: {  	_ =	shalt  }
.Lfunc_end0:
.L_simem_size_0:
called_computation_lowered:
.L_overlay_start_0:
0x88: {  	s2 =	sld [smem:$0x3FD9]  }
0x89: {  	s3 =	sld [smem:$0x3FFE];
	_ =	sdelay $0x1  }
0x8a: {  	s1 =	srdreg.scid  }
0x8b: {  	s0 =	sand.u32 $0x1, s1  }
0x8c: {  	s17 =	sshll.u32 s0, $0xA;
	s2 =	sadd.s32 s3, s2  }
0x8d: {  	s2 =	sadd.s32 s2, s17  }
0x8e: {  	[smem:$0x3FC6] =	sst s2  }
0x8f: {  	_ = 	snop  }
0x90: {  	s2 =	sld [smem:$0x3FC9]  }
0x91: {  	s18 =	sld [smem:$0x3FD0];
	(tm) =	ssettm $0x1  }
0x92: {  	s4 =	sld [smem:$0x3FFB];
	_ =	sdelay $0x3  }
0x93: {  	_ =	strace s4  }
0x94: {  	s4 =	sld [smem:$0x3FFC];
	_ =	sdelay $0x3  }
0x95: {  	_ =	strace s4  }
0x96: {  	s4 =	sld [smem:$0x3FFD];
	_ =	sdelay $0x3  }
0x97: {  	_ =	strace s4  }
0x98: {  	_ =	strace $0x8FFFFFFF  }
0x99: {  	s19 =	sld [smem:$0x3FDB];
	_ =	sdelay $0x1  }
0x9a: {  	s5 =	simm.s32 $_scs_section_size  }
0x9b: {  	s6 =	simm.s32 $_size__tile_overlayer_lowered;
	s7 =	simm.s32 $_tile_overlayer_lowered  }
0x9c: {  	s22 =	simm.s32 $0x1BFF;
	s21 =	sshll.u32 s7, $0x1;
	s4 =	sadd.s32 s5, s19  }
0x9d: {  	s8 =	simm.s32 $0x0;
	s20 =	sshll.u32 s6, $0x1;
	s6 =	sadd.s32 s21, s4  }
0x9e: {  	[timem:s8], [sflag:s22] =	dma.local [hbm:s6], s20  }
0x9f: {  	_ =	swait.ge [sflag:s22], s20  }
0xa0: {  	s5 =	ssub.s32 $0x0, s20;
	[sflag:s22] =	ssyncset.done $0x0  }
0xa1: {  	[sflag:s22] =	ssyncadd.s32 s5;
	_ =	sdelay $0x1  }
0xa2: {  	s23 =	simm.s32 $0x1B8B  }
0xa3: {  	_ =	swait.ge [sflag:s23], $0x1  }
0xa4: {  	[sflag:s23] =	ssyncset.done $0x0  }
0xa5: {  	s25 =	simm.s32 $0x1B8E;
	s24 =	sld [smem:$0x3FFE];
	[sflag:s23] =	ssyncadd.s32 $0xFFFFFFFF  }
0xa6: {  	s26 =	simm.s32 $execute0_lowered;
	[smem:$0x3FD2] =	sst s25  }
0xa7: {  	s6 =	sshll.u32 s26, $0x1;
	_ =	strace $0x80000046;
	[dreg:$0x1] =	wrdreg $0xFFFFFFFF  }
0xa8: {  	s28 =	simm.s32 $_size_execute0_lowered;
	s4 =	sadd.s32 s4, s6;
	[dreg:$0x0] =	wrdreg $0x0  }
0xa9: {  	s6 =	sshll.u32 s28, $0x1;
	[dreg:$0x2] =	wrdreg s4  }
0xaa: {  	[dreg:$0x3] =	wrdreg s6  }
0xab: {  	[dreg:$0x4] =	wrdreg $0xC0  }
0xac: {  	_ =	task [dreg:s8], $0x5FFFF  }
0xad: {  	[dreg:$0x1] =	wrdreg $0xFFFFFFFF  }
0xae: {  	[dreg:$0x0] =	wrdreg $0x60  }
0xaf: {  	[dreg:$0x2] =	wrdreg s2  }
0xb0: {  	[dreg:$0x3] =	wrdreg s24  }
0xb1: {  	[dreg:$0x4] =	wrdreg s18  }
0xb2: {  	[dreg:$0x5] =	wrdreg $0x9  }
0xb3: {  	_ =	task.clear_ibuf [dreg:s8], $0x6FFFF;
	_ =	strace $0x90000046  }
0xb4: {  	s29 =	simm.s32 $0x9;
	_ =	strace $0x80000048  }
0xb5: {  	_ =	swait.ge [sflag:s29], $0x1  }
0xb6: {  	[sflag:s29] =	ssyncadd.s32 $0xFFFFFFFF  }
0xb7: {  	_ =	strace $0x90000048  }
0xb8: {  	_ =	sfence  }
0xb9: {  	s30 =	sld [smem:$0x0];
	_ =	sdelay $0x2  }
0xba: {  	s31 =	sshll.u32 s1, $0xD;
	s1 =	sshrl.u32 s1, $0x2  }
0xbb: {  	s3 =	sand.u32 $0x4000, s31;
	s1 =	sadd.s32 s1, s30  }
0xbc: {  	s0 =	sor.u32 s3, s0;
	s1 =	sshll.u32 s1, $0x11  }
0xbd: {  	s0 =	sor.u32 s1, s0  }
0xbe: {  	s0 =	sadd.s32 $0x8F2B, s0  }
0xbf: {  	[sflag:s0] =	ssyncadd.remote.s32 $0x1  }
0xc0: {  	_ =	sfence.sel $0xFFFF  }
0xc1: {  	[dreg:$0x0] =	wrdreg $0xFFFFFFFF;
	(pc) =	sbr.abs _section_cstart, $3  }
0xc2: {  	[dreg:$0x1] =	wrdreg $0xFFFFFFFF  }
0xc3: {  	_ =	task.clear_ibuf [dreg:s8], $0x2FFFF;
	_ =	strace $0x9FFFFFFF  }
0xc4: {  	(tm) =	ssettm $0x7FFFFFFF  }
0xc5: {  	_ =	shalt  }
tec
execute0_lowered:
.L_overlay_start_1:
0x0: {  	(tag) =	ssettag $0x1  }
0x1: {  	s11 =	rddreg [dreg:$0x0]  }
0x2: {  	s0 =	srdreg.scid;
	s2 =	simm.s32 $0x0;
	s1 =	stileid.u32  }
0x3: {  	s14 =	simm.s32 $0x80;
	s15 =	simm.s32 $0x400;
	s16 =	simm.s32 $0x1  }
0x4: {  	s17 =	simm.s32 $0x9300;
	s0 =	sand.u32 $0x1, s0;
	s3 =	sshrl.u32 s1, $0x1  }
0x5: {  	[smem:$0x7FF] =	sst s2;
	s26 =	sshll.u32 s1, $0x9;
	s4 =	smul.u32 $0xC00, s3  }
0x6: {  	s25 =	ssub.s32 $0x2, s0;
	s0 =	sshll.u32 s0, $0x8;
	s3 =	sand.u32 $0x200, s26  }
0x7: {  	_ =	strace $0x80000047;
	s0 =	sor.u32 s0, s3;
	[dreg:$0x4] =	wrdreg s4  }
.Ltmp0:
0x8: {  	s28 =	sadd.s32 $0x126000, s4;
	[dreg:$0x9] =	wrdreg s0;
	(pc) =	sbr.rel .LBB2_1-.Ltmp0, $4  }
0x9: {  	v0 =	vlaneseq.u32;
	s5 =	sshrl.u32 s25, $0x1;
	s29 =	sadd.s32 $0x24C000, s4;
	[dreg:$0x5] =	wrdreg s28  }
0xa: {  	v2 =	vmul.u32 $0x1000, v0;
	v4 =	vmul.u32 $0xFFFFFFFF, v0;
	s2 =	ssub.s32 s25, s5;
	s30 =	sadd.s32 $0x372000, s4;
	[dreg:$0x6] =	wrdreg s29  }
0xb: {  	v1 =	vimm.s32 $0x0;
	s18 =	simm.s32 $0x2;
	[dreg:$0x7] =	wrdreg s30;
	s31 =	smax.u32 s2, $0x1  }
0xc: {  	s19 =	simm.s32 $0x19300;
	v3 =	vimm.s32 $0x1;
	s1 =	simm.s32 $0x0;
	v2 =	vor.u32 $0x800, v2;
	v4 =	vadd.s32 $0xF, v4;
	[dreg:$0x8] =	wrdreg s31  }
.LBB2_81:
0xd: {  	s1 =	rddreg [dreg:$0xa]  }
0xe: {  	s0 =	rddreg [dreg:$0x8];
	s1 =	sadd.s32 $0x1, s1  }
0xf: {  	p0 =	sne.s32 s1, s0  }
.Ltmp1:
0x10: {  	_ = 	snop;
	(pc) =	sbr.rel @!p0 .LBB2_82-.Ltmp1, $1  }
0x11: {  	_ =	sdelay $0x3  }
.LBB2_1:
0x12: {  	[dreg:$0xa] =	wrdreg s1  }
0x13: {  	s0 =	rddreg [dreg:$0x1]  }
0x14: {  	s30 =	simm.s32 $0x0;
	s2 =	simm.s32 $0x1E480;
	s31 =	simm.s32 $0x5  }
0x15: {  	[tilespmem:s2], [sflag:$0x5] =	stream.linear.gather [hbm4b:s0+s30], $0x180, $0x38;
	[tilespmem:$0x1E600] =	vst v63  }
0x16: {  	_ =	swait.ge [sflag:s31], $0x180  }
0x17: {  	[sflag:s31] =	ssyncset.done $0x0  }
0x18: {  	s0 =	simm.s32 $0x0;
	[sflag:s31] =	ssyncadd.s32 $0xFFFFFE80  }
0x19: {  	v5 =	vld [tilespmem:s0+$0x1E480];
	_ =	sdelay $0x1  }
0x1a: {  	s2 =	simm.s32 $0x10  }
0x1b: {  	v6 =	vld [tilespmem:s2+$0x1E480];
	_ =	sdelay $0x1  }
0x1c: {  	v5 =	vsub.f32 $9.999800470e-02, v5;
	_ =	sdelay $0x1  }
0x1d: {  	v5 =	vmul.f32 $1.442695020e+00, v5  }
0x1e: {  	v6 =	vsub.f32 $9.999800470e-02, v6  }
0x1f: {  	(erf) = vpow2.f32 v5  }
0x20: {  	v6 =	vmul.f32 $1.442695020e+00, v6  }
0x21: {  	s3 =	simm.s32 $0x20  }
0x22: {  	v5 =	vld [tilespmem:s3+$0x1E480];
	(erf) = vpow2.f32 v6;
	_ =	sdelay $0x2  }
0x23: {  	s5 =	simm.s32 $0xC0  }
.LBB2_2:
0x24: {  	p0 =	sne.s32 s5, $0x5C0  }
.Ltmp2:
0x25: {  	s6 =	sshra.s32 s5, $0x2;
	s5 =	sadd.s32 $0x40, s5;
	v6 =	vsub.f32 $9.999800470e-02, v5;
	(pc) =	sbr.rel @p0 .LBB2_2-.Ltmp2, $4  }
0x26: {  	v5 =	vld [tilespmem:s6+$0x1E480];
	v7 =	vpop (erf)  }
0x27: {  	v6 =	vmul.f32 $1.442695020e+00, v6;
	[tilespmem:s0+$0x1E300] =	vst v7;
	s0 =	smov.u32 s2;
	s2 =	smov.u32 s3;
	s3 =	smov.u32 s6  }
0x28: {  	_ = 	snop  }
0x29: {  	(erf) = vpow2.f32 v6  }
0x2a: {  	_ = 	snop  }
0x2b: {  	v5 =	vsub.f32 $9.999800470e-02, v5;
	_ =	sdelay $0x1  }
0x2c: {  	v5 =	vmul.f32 $1.442695020e+00, v5;
	_ =	sdelay $0x1  }
0x2d: {  	(erf) = vpow2.f32 v5;
	_ =	sdelay $0x5  }
.Ltmp3:
0x2e: {  	_ = 	snop;
	(pc) =	sbr.rel .LBB2_4-.Ltmp3, $4  }
0x2f: {  	v5 =	vpop (erf)  }
0x30: {  	[tilespmem:s0+$0x1E300] =	vst v5;
	v5 =	vpop (erf)  }
0x31: {  	[tilespmem:s2+$0x1E300] =	vst v5;
	v5 =	vpop (erf)  }
0x32: {  	p1 =	por $0x1, $0x1;
	s0 =	simm.s32 $0x0;
	[tilespmem:s3+$0x1E300] =	vst v5  }
.LBB2_80:
.Ltmp4:
0x33: {  	(pc) =	sbr.rel @!p0 .LBB2_81-.Ltmp4, $4  }
0x34: {  	_ = 	snop  }
0x35: {  	_ =	swait.ge [sflag:s21], $0x4980  }
0x36: {  	[sflag:s21] =	ssyncset.done $0x0  }
0x37: {  	s0 =	simm.s32 $0x80;
	p1 =	por $0x0, $0x0;
	[sflag:s21] =	ssyncadd.s32 $0xFFFFB680  }
.LBB2_4:
0x38: {  	s2 =	simm.s32 $0x9340  }
0x39: {  	[tilespmem:s2+$0xFFFFFFC0] =	vst v1  }
0x3a: {  	[tilespmem:s2+$0x30] =	vst v1  }
0x3b: {  	[tilespmem:s2+$0x20] =	vst v1  }
0x3c: {  	[tilespmem:s2+$0x10] =	vst v1  }
0x3d: {  	[tilespmem:s2+$0x0] =	vst v1  }
0x3e: {  	[tilespmem:s2+$0xFFFFFFF0] =	vst v1  }
0x3f: {  	p0 =	por p1, p1;
	s3 =	simm.s32 $0x0;
	[tilespmem:s2+$0xFFFFFFE0] =	vst v1  }
.LBB2_5:
0x40: {  	s3 =	sadd.s32 $0x8, s3;
	[tilespmem:s2+$0xFFFFFFD0] =	vst v1;
	s2 =	sadd.s32 $0x80, s2  }
0x41: {  	[tilespmem:s2+$0xFFFFFFC0] =	vst v1;
	p1 =	slt.u32 s3, $0xFF8  }
0x42: {  	[tilespmem:s2+$0x30] =	vst v1  }
.Ltmp5:
0x43: {  	[tilespmem:s2+$0x20] =	vst v1;
	(pc) =	sbr.rel @p1 .LBB2_5-.Ltmp5, $4  }
0x44: {  	[tilespmem:s2+$0x10] =	vst v1  }
0x45: {  	[tilespmem:s2+$0x0] =	vst v1  }
0x46: {  	[tilespmem:s2+$0xFFFFFFF0] =	vst v1  }
0x47: {  	[tilespmem:s2+$0xFFFFFFE0] =	vst v1  }
0x48: {  	s1 =	rddreg [dreg:$0x9]  }
0x49: {  	s31 =	rddreg [dreg:$0x4];
	s4 =	sor.u32 s1, s0  }
0x4a: {  	s1 =	sor.u32 s31, s4  }
0x4b: {  	s0 =	sshrl.u32 s1, $0x3  }
0x4c: {  	s5 =	simm.s32 $0x0;
	s29 =	sadd.s32 s11, s0  }
0x4d: {  	[tilespmem:s2+$0xFFFFFFD0] =	vst v1;
	s0 =	simm.s32 $0x600;
	s2 =	sadd.s32 $0xC00, s29;
	s3 =	smov.u32 s29  }
.LBB2_7:
0x4e: {  	[tilespmem:s5], [sflag:$0x1] =	stream.strided.gather [hbm4b:s3+s14], $0x180, s15, s14, $0x38;
	[tilespmem:$0x1E600] =	vst v63  }
0x4f: {  	s5 =	smov.u32 s0;
	s3 =	smov.u32 s2;
	p1 =	seq.s32 s0, $0x12000  }
.Ltmp6:
0x50: {  	s0 =	sadd.s32 $0x600, s0;
	(pc) =	sbr.rel @!p1 .LBB2_7-.Ltmp6, $2  }
0x51: {  	_ =	sdelay $0x2  }
0x52: {  	s2 =	sadd.s32 $0xC00, s2;
	s5 =	sshra.s32 s5, $0x2  }
0x53: {  	[tilespmem:s5], [sflag:$0x1] =	stream.strided.gather [hbm4b:s3+s14], $0x180, s15, s14, $0x38;
	[tilespmem:$0x1E600] =	vst v63  }
0x54: {  	s0 =	rddreg [dreg:$0x5]  }
0x55: {  	s31 =	rddreg [dreg:$0x6]  }
0x56: {  	[dreg:$0xd] =	wrdreg s4  }
0x57: {  	s25 =	sor.u32 s4, s0;
	s4 =	sor.u32 s4, s31;
	s0 =	simm.s32 $0x0  }
.LBB2_9:
0x58: {  	s2 =	smul.u32 $0x24C000, s0;
	_ =	sdelay $0x1  }
0x59: {  	s3 =	sadd.s32 s2, s25  }
0x5a: {  	s3 =	sshrl.u32 s3, $0x3  }
0x5b: {  	s5 =	simm.s32 $0x4980;
	s3 =	sadd.s32 s11, s3  }
0x5c: {  	[tilespmem:s5], [sflag:$0x2] =	stream.strided.gather [hbm4b:s3+s14], $0x180, s15, s14, $0x38;
	[tilespmem:$0x1E600] =	vst v63  }
0x5d: {  	s5 =	simm.s32 $0x600  }
.LBB2_10:
0x5e: {  	p1 =	sne.s32 s5, $0x12000  }
.Ltmp7:
0x5f: {  	_ = 	snop;
	(pc) =	sbr.rel @p1 .LBB2_10-.Ltmp7, $4  }
0x60: {  	_ = 	snop  }
0x61: {  	s6 =	sshra.s32 s5, $0x2;
	s5 =	sadd.s32 $0x600, s5  }
0x62: {  	s3 =	sadd.s32 $0xC00, s3;
	s6 =	sadd.s32 $0x4980, s6  }
0x63: {  	[tilespmem:s6], [sflag:$0x2] =	stream.strided.gather [hbm4b:s3+s14], $0x180, s15, s14, $0x38;
	[tilespmem:$0x1E600] =	vst v63  }
0x64: {  	_ =	swait.ge [sflag:s16], $0x4980  }
0x65: {  	s3 =	simm.s32 $0x0;
	[sflag:s16] =	ssyncset.done $0x0  }
0x66: {  	s5 =	simm.s32 $0x0;
	s10 =	simm.s32 $0x0;
	[sflag:s16] =	ssyncadd.s32 $0xFFFFB680  }
.LBB2_12:
0x67: {  	s6 =	sshll.u32 s5, $0x2;
	s7 =	sand.u32 $0x7, s3  }
0x68: {  	s6 =	sand.u32 $0xFFFFFE00, s6;
	s7 =	sshll.u32 s7, $0x6  }
0x69: {  	s6 =	sor.u32 s7, s6  }
0x6a: {  	s31 =	sshll.u32 s10, $0x4;
	s6 =	sshrl.u32 s6, $0x2  }
0x6b: {  	v5 =	vld [tilespmem:s31+$0x1E300];
	s6 =	sadd.s32 $0x480, s6  }
0x6c: {  	v6 =	vld [tilespmem:s6+$0x480]  }
0x6d: {  	v7 =	vld [tilespmem:s6+$0xFFFFFD00]  }
0x6e: {  	v8 =	vld [tilespmem:s6+$0xFFFFFE80]  }
0x6f: {  	v9 =	vld [tilespmem:s6+$0x0]  }
0x70: {  	v10 =	vld [tilespmem:s6+$0x180]  }
0x71: {  	v11 =	vld [tilespmem:s6+$0x300]  }
0x72: {  	v12 =	vld [tilespmem:s6+$0xFFFFFB80];
	s6 =	sadd.s32 $0xA80, s6  }
0x73: {  	v18 =	vld [tilespmem:s6+$0x480];
	_ =	sdelay $0x1  }
0x74: {  	v6 =	vmul.f32 v6, v5;
	v7 =	vmul.f32 v7, v5  }
0x75: {  	v8 =	vmul.f32 v8, v5;
	v9 =	vmul.f32 v9, v5  }
0x76: {  	v10 =	vmul.f32 v10, v5;
	v11 =	vmul.f32 v11, v5  }
0x77: {  	v18 =	vmul.f32 v18, v5;
	v13 =	vshra.s32 v6, $0x1F;
	v14 =	vshra.s32 v7, $0x1F  }
0x78: {  	v15 =	vshra.s32 v9, $0x1F;
	v17 =	vshra.s32 v11, $0x1F;
	v13 =	vand.u32 $0x7FF00000, v13  }
0x79: {  	v14 =	vand.u32 $0x7FF00000, v14;
	v15 =	vand.u32 $0x7FF00000, v15;
	v6 =	vxor.u32 v6, v13  }
0x7a: {  	v13 =	vshra.s32 v8, $0x1F;
	v7 =	vxor.u32 v7, v14;
	v14 =	vand.u32 $0x7FF00000, v17  }
0x7b: {  	v9 =	vxor.u32 v9, v15;
	v6 =	vshra.s32 v6, $0x14;
	v7 =	vshra.s32 v7, $0x14  }
0x7c: {  	v17 =	vld [tilespmem:s6+$0xFFFFFD00];
	v9 =	vshra.s32 v9, $0x14;
	v16 =	vadd.s32 v2, v6;
	v6 =	vmul.f32 v12, v5  }
0x7d: {  	v12 =	vand.u32 $0x7FF00000, v13;
	v13 =	vshra.s32 v10, $0x1F;
	v20 =	vadd.s32 v2, v7  }
0x7e: {  	v23 =	vld [tilespmem:s6+$0xFFFFFB80];
	v22 =	vadd.s32 v2, v9;
	v13 =	vand.u32 $0x7FF00000, v13;
	v8 =	vxor.u32 v8, v12  }
0x7f: {  	v12 =	vld [tilespmem:s6+$0xFFFFFE80];
	v19 =	vshra.s32 v6, $0x1F;
	v10 =	vxor.u32 v10, v13;
	v13 =	vshra.s32 v8, $0x14  }
0x80: {  	v8 =	vxor.u32 v11, v14;
	v11 =	vld [tilespmem:s6+$0x0];
	v19 =	vand.u32 $0x7FF00000, v19;
	v10 =	vshra.s32 v10, $0x14  }
0x81: {  	v15 =	vld [tilespmem:s6+$0x180];
	v14 =	vshra.s32 v8, $0x14;
	v8 =	vmul.f32 v17, v5;
	v6 =	vxor.u32 v6, v19  }
0x82: {  	v17 =	vld [tilespmem:s6+$0x300];
	v21 =	vadd.s32 v2, v13;
	v13 =	vshra.s32 v18, $0x1F;
	v6 =	vshra.s32 v6, $0x14  }
0x83: {  	v7 =	vadd.s32 v2, v14;
	v19 =	vadd.s32 v2, v6;
	v6 =	vadd.s32 v2, v10  }
0x84: {  	v10 =	vshra.s32 v8, $0x1F;
	v9 =	vmul.f32 v12, v5;
	v12 =	vand.u32 $0x7FF00000, v13  }
0x85: {  	[tilespmem:v16+s17+$0x0] =	vst.idx.add.s32.msk $0xffff, v3;
	v13 =	vand.u32 $0x7FF00000, v10;
	v10 =	vmul.f32 v11, v5;
	v12 =	vxor.u32 v18, v12  }
0x86: {  	[tilespmem:v20+s17+$0x0] =	vst.idx.add.s32.msk $0xffff, v3;
	v11 =	vmul.f32 v15, v5;
	v15 =	vmul.f32 v23, v5;
	v14 =	vshra.s32 v12, $0x14  }
0x87: {  	[tilespmem:v22+s17+$0x0] =	vst.idx.add.s32.msk $0xffff, v3;
	v16 =	vshra.s32 v9, $0x1F;
	v12 =	vmul.f32 v17, v5;
	v14 =	vadd.s32 v2, v14  }
0x88: {  	[tilespmem:v21+s17+$0x0] =	vst.idx.add.s32.msk $0xffff, v3;
	v18 =	vshra.s32 v10, $0x1F;
	v17 =	vand.u32 $0x7FF00000, v16;
	v16 =	vshra.s32 v11, $0x1F  }
0x89: {  	s7 =	simm.s32 $0x7;
	s6 =	sadd.s32 $0xA80, s6;
	v18 =	vand.u32 $0x7FF00000, v18;
	v16 =	vand.u32 $0x7FF00000, v16;
	[tilespmem:v19+s17+$0x0] =	vst.idx.add.s32.msk $0xffff, v3;
	v19 =	vshra.s32 v12, $0x1F  }
.LBB2_13:
0x8a: {  	v20 =	vld [tilespmem:s6+$0x480];
	s7 =	sadd.s32 $0x7, s7;
	v21 =	vshra.s32 v15, $0x1F;
	v8 =	vxor.u32 v8, v13;
	v13 =	vand.u32 $0x7FF00000, v19  }
0x8b: {  	v9 =	vxor.u32 v9, v17;
	v10 =	vxor.u32 v10, v18;
	v19 =	vld [tilespmem:s6+$0xFFFFFD00];
	p1 =	slt.u32 s7, $0x2A;
	v21 =	vand.u32 $0x7FF00000, v21  }
0x8c: {  	v11 =	vxor.u32 v11, v16;
	v8 =	vshra.s32 v8, $0x14;
	v15 =	vxor.u32 v15, v21;
	[tilespmem:v14+s17+$0x0] =	vst.idx.add.s32.msk $0xffff, v3  }
0x8d: {  	v9 =	vshra.s32 v9, $0x14;
	v12 =	vxor.u32 v12, v13;
	v14 =	vld [tilespmem:s6+$0xFFFFFE80];
	v15 =	vshra.s32 v15, $0x14  }
0x8e: {  	v10 =	vshra.s32 v10, $0x14;
	v11 =	vshra.s32 v11, $0x14;
	v12 =	vshra.s32 v12, $0x14;
	v16 =	vld [tilespmem:s6+$0x0]  }
0x8f: {  	v15 =	vadd.s32 v2, v15;
	v17 =	vld [tilespmem:s6+$0x180];
	v18 =	vmul.f32 v20, v5;
	v20 =	vadd.s32 v2, v8  }
0x90: {  	v21 =	vadd.s32 v2, v9;
	v22 =	vadd.s32 v2, v10;
	v8 =	vmul.f32 v19, v5;
	v19 =	vld [tilespmem:s6+$0x300]  }
0x91: {  	v11 =	vadd.s32 v2, v11;
	v12 =	vadd.s32 v2, v12;
	v23 =	vld [tilespmem:s6+$0xFFFFFB80];
	v10 =	vshra.s32 v18, $0x1F  }
0x92: {  	v13 =	vshra.s32 v8, $0x1F;
	v9 =	vmul.f32 v14, v5;
	v14 =	vand.u32 $0x7FF00000, v10;
	[tilespmem:v6+s17+$0x0] =	vst.idx.add.s32.msk $0xffff, v3;
	v6 =	vmovc v11  }
.Ltmp8:
0x93: {  	v13 =	vand.u32 $0x7FF00000, v13;
	v10 =	vmul.f32 v16, v5;
	v14 =	vxor.u32 v18, v14;
	[tilespmem:v7+s17+$0x0] =	vst.idx.add.s32.msk $0xffff, v3;
	(pc) =	sbr.rel @p1 .LBB2_13-.Ltmp8, $4  }
0x94: {  	v7 =	vmovc v12;
	v16 =	vshra.s32 v9, $0x1F;
	v11 =	vmul.f32 v17, v5;
	v14 =	vshra.s32 v14, $0x14;
	[tilespmem:v15+s17+$0x0] =	vst.idx.add.s32.msk $0xffff, v3  }
0x95: {  	v18 =	vshra.s32 v10, $0x1F;
	v12 =	vmul.f32 v19, v5;
	v14 =	vadd.s32 v2, v14;
	[tilespmem:v20+s17+$0x0] =	vst.idx.add.s32.msk $0xffff, v3  }
0x96: {  	v17 =	vand.u32 $0x7FF00000, v16;
	v15 =	vmul.f32 v23, v5;
	v16 =	vshra.s32 v11, $0x1F;
	[tilespmem:v21+s17+$0x0] =	vst.idx.add.s32.msk $0xffff, v3  }
0x97: {  	s6 =	sadd.s32 $0xA80, s6;
	v18 =	vand.u32 $0x7FF00000, v18;
	v16 =	vand.u32 $0x7FF00000, v16;
	v19 =	vshra.s32 v12, $0x1F;
	[tilespmem:v22+s17+$0x0] =	vst.idx.add.s32.msk $0xffff, v3  }
0x98: {  	v5 =	vshra.s32 v15, $0x1F;
	v8 =	vxor.u32 v8, v13;
	v63 =	vand.u32 $0x7FF00000, v19  }
0x99: {  	v9 =	vxor.u32 v9, v17;
	v10 =	vxor.u32 v10, v18;
	v8 =	vshra.s32 v8, $0x14  }
0x9a: {  	v11 =	vxor.u32 v11, v16;
	v9 =	vshra.s32 v9, $0x14;
	v8 =	vadd.s32 v2, v8  }
0x9b: {  	v5 =	vand.u32 $0x7FF00000, v5;
	v10 =	vshra.s32 v10, $0x14;
	v9 =	vadd.s32 v2, v9  }
0x9c: {  	[tilespmem:v14+s17+$0x0] =	vst.idx.add.s32.msk $0xffff, v3;
	v12 =	vxor.u32 v12, v63;
	v11 =	vshra.s32 v11, $0x14;
	v10 =	vadd.s32 v2, v10  }
0x9d: {  	[tilespmem:v6+s17+$0x0] =	vst.idx.add.s32.msk $0xffff, v3;
	v5 =	vxor.u32 v15, v5;
	v6 =	vshra.s32 v12, $0x14;
	v11 =	vadd.s32 v2, v11  }
0x9e: {  	[tilespmem:v7+s17+$0x0] =	vst.idx.add.s32.msk $0xffff, v3;
	s10 =	sadd.s32 $0x1, s10;
	v5 =	vshra.s32 v5, $0x14;
	v6 =	vadd.s32 v2, v6  }
0x9f: {  	p1 =	sne.s32 s10, $0x18;
	v5 =	vadd.s32 v2, v5;
	[tilespmem:v8+s17+$0x0] =	vst.idx.add.s32.msk $0xffff, v3  }
.Ltmp9:
0xa0: {  	[tilespmem:v9+s17+$0x0] =	vst.idx.add.s32.msk $0xffff, v3;
	(pc) =	sbr.rel @p1 .LBB2_12-.Ltmp9, $4  }
0xa1: {  	[tilespmem:v10+s17+$0x0] =	vst.idx.add.s32.msk $0xffff, v3  }
0xa2: {  	[tilespmem:v11+s17+$0x0] =	vst.idx.add.s32.msk $0xffff, v3  }
0xa3: {  	[tilespmem:v6+s17+$0x0] =	vst.idx.add.s32.msk $0xffff, v3  }
0xa4: {  	s5 =	sadd.s32 $0x10, s5;
	s3 =	sadd.s32 $0x1, s3;
	[tilespmem:v5+s17+$0x0] =	vst.idx.add.s32.msk $0xffff, v3  }
0xa5: {  	p1 =	seq.s32 s0, $0x7  }
.Ltmp10:
0xa6: {  	_ = 	snop;
	(pc) =	sbr.rel @p1 .LBB2_19-.Ltmp10, $1  }
0xa7: {  	_ =	sdelay $0x3  }
0xa8: {  	s2 =	sadd.s32 s2, s4  }
0xa9: {  	s2 =	sshrl.u32 s2, $0x3  }
0xaa: {  	s2 =	sadd.s32 s11, s2  }
0xab: {  	s3 =	simm.s32 $0x600;
	s6 =	simm.s32 $0x0;
	s5 =	sadd.s32 $0xC00, s2  }
.LBB2_17:
0xac: {  	[tilespmem:s6], [sflag:$0x1] =	stream.strided.gather [hbm4b:s2+s14], $0x180, s15, s14, $0x38;
	[tilespmem:$0x1E600] =	vst v63  }
0xad: {  	s6 =	smov.u32 s3;
	s2 =	smov.u32 s5;
	p1 =	sne.s32 s3, $0x12000  }
.Ltmp11:
0xae: {  	s3 =	sadd.s32 $0x600, s3;
	(pc) =	sbr.rel @p1 .LBB2_17-.Ltmp11, $2  }
0xaf: {  	_ =	sdelay $0x2  }
0xb0: {  	s5 =	sadd.s32 $0xC00, s5;
	s6 =	sshra.s32 s6, $0x2  }
0xb1: {  	[tilespmem:s6], [sflag:$0x1] =	stream.strided.gather [hbm4b:s2+s14], $0x180, s15, s14, $0x38;
	[tilespmem:$0x1E600] =	vst v63  }
.LBB2_19:
0xb2: {  	_ =	swait.ge [sflag:s18], $0x4980  }
0xb3: {  	s2 =	simm.s32 $0x0;
	[sflag:s18] =	ssyncset.done $0x0  }
0xb4: {  	s3 =	simm.s32 $0x0;
	s5 =	simm.s32 $0x0;
	[sflag:s18] =	ssyncadd.s32 $0xFFFFB680  }
.LBB2_20:
0xb5: {  	s6 =	sshll.u32 s3, $0x2;
	s7 =	sand.u32 $0x7, s2  }
0xb6: {  	s6 =	sand.u32 $0xFFFFFE00, s6;
	s7 =	sshll.u32 s7, $0x6  }
0xb7: {  	s6 =	sor.u32 s7, s6  }
0xb8: {  	s31 =	sshll.u32 s5, $0x4;
	s6 =	sshrl.u32 s6, $0x2  }
0xb9: {  	v5 =	vld [tilespmem:s31+$0x1E300];
	s6 =	sadd.s32 $0x4E00, s6  }
0xba: {  	v6 =	vld [tilespmem:s6+$0x480]  }
0xbb: {  	v7 =	vld [tilespmem:s6+$0xFFFFFD00]  }
0xbc: {  	v8 =	vld [tilespmem:s6+$0xFFFFFE80]  }
0xbd: {  	v9 =	vld [tilespmem:s6+$0x0]  }
0xbe: {  	v10 =	vld [tilespmem:s6+$0x180]  }
0xbf: {  	v11 =	vld [tilespmem:s6+$0x300]  }
0xc0: {  	v12 =	vld [tilespmem:s6+$0xFFFFFB80];
	s6 =	sadd.s32 $0xA80, s6  }
0xc1: {  	v18 =	vld [tilespmem:s6+$0x480];
	_ =	sdelay $0x1  }
0xc2: {  	v6 =	vmul.f32 v6, v5;
	v7 =	vmul.f32 v7, v5  }
0xc3: {  	v8 =	vmul.f32 v8, v5;
	v9 =	vmul.f32 v9, v5  }
0xc4: {  	v10 =	vmul.f32 v10, v5;
	v11 =	vmul.f32 v11, v5  }
0xc5: {  	v18 =	vmul.f32 v18, v5;
	v13 =	vshra.s32 v6, $0x1F;
	v14 =	vshra.s32 v7, $0x1F  }
0xc6: {  	v15 =	vshra.s32 v9, $0x1F;
	v17 =	vshra.s32 v11, $0x1F;
	v13 =	vand.u32 $0x7FF00000, v13  }
0xc7: {  	v14 =	vand.u32 $0x7FF00000, v14;
	v15 =	vand.u32 $0x7FF00000, v15;
	v6 =	vxor.u32 v6, v13  }
0xc8: {  	v13 =	vshra.s32 v8, $0x1F;
	v7 =	vxor.u32 v7, v14;
	v14 =	vand.u32 $0x7FF00000, v17  }
0xc9: {  	v9 =	vxor.u32 v9, v15;
	v6 =	vshra.s32 v6, $0x14;
	v7 =	vshra.s32 v7, $0x14  }
0xca: {  	v17 =	vld [tilespmem:s6+$0xFFFFFD00];
	v9 =	vshra.s32 v9, $0x14;
	v16 =	vadd.s32 v2, v6;
	v6 =	vmul.f32 v12, v5  }
0xcb: {  	v12 =	vand.u32 $0x7FF00000, v13;
	v13 =	vshra.s32 v10, $0x1F;
	v20 =	vadd.s32 v2, v7  }
0xcc: {  	v23 =	vld [tilespmem:s6+$0xFFFFFB80];
	v22 =	vadd.s32 v2, v9;
	v13 =	vand.u32 $0x7FF00000, v13;
	v8 =	vxor.u32 v8, v12  }
0xcd: {  	v12 =	vld [tilespmem:s6+$0xFFFFFE80];
	v19 =	vshra.s32 v6, $0x1F;
	v10 =	vxor.u32 v10, v13;
	v13 =	vshra.s32 v8, $0x14  }
0xce: {  	v8 =	vxor.u32 v11, v14;
	v11 =	vld [tilespmem:s6+$0x0];
	v19 =	vand.u32 $0x7FF00000, v19;
	v10 =	vshra.s32 v10, $0x14  }
0xcf: {  	v15 =	vld [tilespmem:s6+$0x180];
	v14 =	vshra.s32 v8, $0x14;
	v8 =	vmul.f32 v17, v5;
	v6 =	vxor.u32 v6, v19  }
0xd0: {  	v17 =	vld [tilespmem:s6+$0x300];
	v21 =	vadd.s32 v2, v13;
	v13 =	vshra.s32 v18, $0x1F;
	v6 =	vshra.s32 v6, $0x14  }
0xd1: {  	v7 =	vadd.s32 v2, v14;
	v19 =	vadd.s32 v2, v6;
	v6 =	vadd.s32 v2, v10  }
0xd2: {  	v10 =	vshra.s32 v8, $0x1F;
	v9 =	vmul.f32 v12, v5;
	v12 =	vand.u32 $0x7FF00000, v13  }
0xd3: {  	[tilespmem:v16+s17+$0x0] =	vst.idx.add.s32.msk $0xffff, v3;
	v13 =	vand.u32 $0x7FF00000, v10;
	v10 =	vmul.f32 v11, v5;
	v12 =	vxor.u32 v18, v12  }
0xd4: {  	[tilespmem:v20+s17+$0x0] =	vst.idx.add.s32.msk $0xffff, v3;
	v11 =	vmul.f32 v15, v5;
	v15 =	vmul.f32 v23, v5;
	v14 =	vshra.s32 v12, $0x14  }
0xd5: {  	[tilespmem:v22+s17+$0x0] =	vst.idx.add.s32.msk $0xffff, v3;
	v16 =	vshra.s32 v9, $0x1F;
	v12 =	vmul.f32 v17, v5;
	v14 =	vadd.s32 v2, v14  }
0xd6: {  	[tilespmem:v21+s17+$0x0] =	vst.idx.add.s32.msk $0xffff, v3;
	v18 =	vshra.s32 v10, $0x1F;
	v17 =	vand.u32 $0x7FF00000, v16;
	v16 =	vshra.s32 v11, $0x1F  }
0xd7: {  	s7 =	simm.s32 $0x7;
	s6 =	sadd.s32 $0xA80, s6;
	v18 =	vand.u32 $0x7FF00000, v18;
	v16 =	vand.u32 $0x7FF00000, v16;
	[tilespmem:v19+s17+$0x0] =	vst.idx.add.s32.msk $0xffff, v3;
	v19 =	vshra.s32 v12, $0x1F  }
.LBB2_21:
0xd8: {  	v20 =	vld [tilespmem:s6+$0x480];
	s7 =	sadd.s32 $0x7, s7;
	v21 =	vshra.s32 v15, $0x1F;
	v8 =	vxor.u32 v8, v13;
	v13 =	vand.u32 $0x7FF00000, v19  }
0xd9: {  	v9 =	vxor.u32 v9, v17;
	v10 =	vxor.u32 v10, v18;
	v19 =	vld [tilespmem:s6+$0xFFFFFD00];
	p1 =	slt.u32 s7, $0x2A;
	v21 =	vand.u32 $0x7FF00000, v21  }
0xda: {  	v11 =	vxor.u32 v11, v16;
	v8 =	vshra.s32 v8, $0x14;
	v15 =	vxor.u32 v15, v21;
	[tilespmem:v14+s17+$0x0] =	vst.idx.add.s32.msk $0xffff, v3  }
0xdb: {  	v9 =	vshra.s32 v9, $0x14;
	v12 =	vxor.u32 v12, v13;
	v14 =	vld [tilespmem:s6+$0xFFFFFE80];
	v15 =	vshra.s32 v15, $0x14  }
0xdc: {  	v10 =	vshra.s32 v10, $0x14;
	v11 =	vshra.s32 v11, $0x14;
	v12 =	vshra.s32 v12, $0x14;
	v16 =	vld [tilespmem:s6+$0x0]  }
0xdd: {  	v15 =	vadd.s32 v2, v15;
	v17 =	vld [tilespmem:s6+$0x180];
	v18 =	vmul.f32 v20, v5;
	v20 =	vadd.s32 v2, v8  }
0xde: {  	v21 =	vadd.s32 v2, v9;
	v22 =	vadd.s32 v2, v10;
	v8 =	vmul.f32 v19, v5;
	v19 =	vld [tilespmem:s6+$0x300]  }
0xdf: {  	v11 =	vadd.s32 v2, v11;
	v12 =	vadd.s32 v2, v12;
	v23 =	vld [tilespmem:s6+$0xFFFFFB80];
	v10 =	vshra.s32 v18, $0x1F  }
0xe0: {  	v13 =	vshra.s32 v8, $0x1F;
	v9 =	vmul.f32 v14, v5;
	v14 =	vand.u32 $0x7FF00000, v10;
	[tilespmem:v6+s17+$0x0] =	vst.idx.add.s32.msk $0xffff, v3;
	v6 =	vmovc v11  }
.Ltmp12:
0xe1: {  	v13 =	vand.u32 $0x7FF00000, v13;
	v10 =	vmul.f32 v16, v5;
	v14 =	vxor.u32 v18, v14;
	[tilespmem:v7+s17+$0x0] =	vst.idx.add.s32.msk $0xffff, v3;
	(pc) =	sbr.rel @p1 .LBB2_21-.Ltmp12, $4  }
0xe2: {  	v7 =	vmovc v12;
	v16 =	vshra.s32 v9, $0x1F;
	v11 =	vmul.f32 v17, v5;
	v14 =	vshra.s32 v14, $0x14;
	[tilespmem:v15+s17+$0x0] =	vst.idx.add.s32.msk $0xffff, v3  }
0xe3: {  	v18 =	vshra.s32 v10, $0x1F;
	v12 =	vmul.f32 v19, v5;
	v14 =	vadd.s32 v2, v14;
	[tilespmem:v20+s17+$0x0] =	vst.idx.add.s32.msk $0xffff, v3  }
0xe4: {  	v17 =	vand.u32 $0x7FF00000, v16;
	v15 =	vmul.f32 v23, v5;
	v16 =	vshra.s32 v11, $0x1F;
	[tilespmem:v21+s17+$0x0] =	vst.idx.add.s32.msk $0xffff, v3  }
0xe5: {  	s6 =	sadd.s32 $0xA80, s6;
	v18 =	vand.u32 $0x7FF00000, v18;
	v16 =	vand.u32 $0x7FF00000, v16;
	v19 =	vshra.s32 v12, $0x1F;
	[tilespmem:v22+s17+$0x0] =	vst.idx.add.s32.msk $0xffff, v3  }
0xe6: {  	v5 =	vshra.s32 v15, $0x1F;
	v8 =	vxor.u32 v8, v13;
	v63 =	vand.u32 $0x7FF00000, v19  }
0xe7: {  	v9 =	vxor.u32 v9, v17;
	v10 =	vxor.u32 v10, v18;
	v8 =	vshra.s32 v8, $0x14  }
0xe8: {  	v11 =	vxor.u32 v11, v16;
	v9 =	vshra.s32 v9, $0x14;
	v8 =	vadd.s32 v2, v8  }
0xe9: {  	v5 =	vand.u32 $0x7FF00000, v5;
	v10 =	vshra.s32 v10, $0x14;
	v9 =	vadd.s32 v2, v9  }
0xea: {  	[tilespmem:v14+s17+$0x0] =	vst.idx.add.s32.msk $0xffff, v3;
	v12 =	vxor.u32 v12, v63;
	v11 =	vshra.s32 v11, $0x14;
	v10 =	vadd.s32 v2, v10  }
0xeb: {  	[tilespmem:v6+s17+$0x0] =	vst.idx.add.s32.msk $0xffff, v3;
	v5 =	vxor.u32 v15, v5;
	v6 =	vshra.s32 v12, $0x14;
	v11 =	vadd.s32 v2, v11  }
0xec: {  	[tilespmem:v7+s17+$0x0] =	vst.idx.add.s32.msk $0xffff, v3;
	s5 =	sadd.s32 $0x1, s5;
	v5 =	vshra.s32 v5, $0x14;
	v6 =	vadd.s32 v2, v6  }
0xed: {  	p1 =	sne.s32 s5, $0x18;
	v5 =	vadd.s32 v2, v5;
	[tilespmem:v8+s17+$0x0] =	vst.idx.add.s32.msk $0xffff, v3  }
.Ltmp13:
0xee: {  	[tilespmem:v9+s17+$0x0] =	vst.idx.add.s32.msk $0xffff, v3;
	(pc) =	sbr.rel @p1 .LBB2_20-.Ltmp13, $4  }
0xef: {  	[tilespmem:v10+s17+$0x0] =	vst.idx.add.s32.msk $0xffff, v3  }
0xf0: {  	[tilespmem:v11+s17+$0x0] =	vst.idx.add.s32.msk $0xffff, v3  }
0xf1: {  	[tilespmem:v6+s17+$0x0] =	vst.idx.add.s32.msk $0xffff, v3  }
0xf2: {  	s3 =	sadd.s32 $0x10, s3;
	s2 =	sadd.s32 $0x1, s2;
	[tilespmem:v5+s17+$0x0] =	vst.idx.add.s32.msk $0xffff, v3  }
0xf3: {  	s0 =	sadd.s32 $0x1, s0  }
0xf4: {  	p1 =	sne.s32 s0, $0x8  }
.Ltmp14:
0xf5: {  	_ = 	snop;
	(pc) =	sbr.rel @p1 .LBB2_9-.Ltmp14, $1  }
0xf6: {  	_ =	sdelay $0x3  }
0xf7: {  	[dreg:$0xc] =	wrdreg s4  }
0xf8: {  	[dreg:$0xb] =	wrdreg s1;
	s0 =	simm.s32 $0x0;
	s2 =	smov.u32 s29  }
.LBB2_25:
0xf9: {  	p1 =	sne.s32 s0, $0x12000  }
.Ltmp15:
0xfa: {  	_ = 	snop;
	(pc) =	sbr.rel @p1 .LBB2_25-.Ltmp15, $4  }
0xfb: {  	_ = 	snop  }
0xfc: {  	s3 =	sshra.s32 s0, $0x2  }
0xfd: {  	[tilespmem:s3], [sflag:$0x1] =	stream.strided.gather [hbm4b:s2+s14], $0x180, s15, s14, $0x38;
	[tilespmem:$0x1E600] =	vst v63  }
0xfe: {  	s0 =	sadd.s32 $0x600, s0;
	s2 =	sadd.s32 $0xC00, s2  }
0xff: {  	s0 =	simm.s32 $0x0  }
0x100: {  	s3 =	simm.s32 $0x9310;
	s7 =	sand.u32 $0xF80, s0  }
0x101: {  	v5 =	vld [tilespmem:s3+$0xFFFFFFF0];
	s8 =	sand.u32 $0x60, s0;
	s0 =	sadd.s32 $0x18300, s7  }
0x102: {  	v6 =	vld [tilespmem:s3+$0x0];
	s2 =	sadd.s32 $0x17300, s7;
	s5 =	sor.u32 s8, s0  }
0x103: {  	s3 =	sadd.s32 $0x16300, s7;
	s6 =	sor.u32 s8, s2;
	v7 =	vld [tilespmem:s5+$0x0]  }
0x104: {  	s1 =	simm.s32 $0x10;
	s26 =	sadd.s32 $0xB300, s7;
	s9 =	sor.u32 s8, s3;
	v8 =	vld [tilespmem:s6+$0x0]  }
0x105: {  	s21 =	sand.u32 $0x70, s1;
	s24 =	sor.u32 s8, s26;
	v9 =	vld [tilespmem:s9+$0x0]  }
0x106: {  	s5 =	sadd.s32 $0x15300, s7;
	v20 =	vld [tilespmem:s24+$0x0];
	s24 =	sor.u32 s21, s26  }
0x107: {  	s6 =	sadd.s32 $0x14300, s7;
	s10 =	sor.u32 s8, s5;
	v23 =	vld [tilespmem:s24+$0x0]  }
0x108: {  	s9 =	sadd.s32 $0x13300, s7;
	s11 =	sor.u32 s8, s6;
	v10 =	vld [tilespmem:s10+$0x0]  }
0x109: {  	s12 =	sor.u32 s8, s9;
	s10 =	sadd.s32 $0x12300, s7;
	v11 =	vld [tilespmem:s11+$0x0]  }
0x10a: {  	s11 =	sadd.s32 $0x11300, s7;
	v12 =	vld [tilespmem:s12+$0x0];
	s13 =	sor.u32 s8, s10  }
0x10b: {  	s12 =	sadd.s32 $0x10300, s7;
	s23 =	sor.u32 s8, s11;
	v13 =	vld [tilespmem:s13+$0x0]  }
0x10c: {  	s30 =	sor.u32 s8, s12;
	v14 =	vld [tilespmem:s23+$0x0]  }
0x10d: {  	s1 =	sor.u32 s21, s12;
	s13 =	sadd.s32 $0xF300, s7;
	v15 =	vld [tilespmem:s30+$0x0]  }
0x10e: {  	s23 =	sadd.s32 $0xE300, s7;
	s30 =	sadd.s32 $0xD300, s7;
	v52 =	vld [tilespmem:s1+$0x0];
	s31 =	sor.u32 s8, s13  }
0x10f: {  	s28 =	sor.u32 s8, s23;
	v16 =	vld [tilespmem:s31+$0x0];
	s31 =	sadd.s32 $0xC300, s7;
	s7 =	sadd.s32 $0xA300, s7  }
0x110: {  	s20 =	sor.u32 s8, s30;
	v17 =	vld [tilespmem:s28+$0x0];
	s4 =	sor.u32 s8, s31;
	s8 =	sor.u32 s8, s7  }
0x111: {  	v21 =	vld [tilespmem:s8+$0x0]  }
0x112: {  	s22 =	sor.u32 s21, s7;
	v19 =	vld [tilespmem:s4+$0x0]  }
0x113: {  	v22 =	vld [tilespmem:s22+$0x0]  }
0x114: {  	v18 =	vld [tilespmem:s20+$0x0];
	s26 =	sor.u32 s21, s31  }
0x115: {  	s28 =	sor.u32 s21, s30;
	v24 =	vld [tilespmem:s26+$0x0]  }
0x116: {  	s30 =	sor.u32 s21, s23;
	v25 =	vld [tilespmem:s28+$0x0];
	v5 =	vadd.s32 v5, v21  }
0x117: {  	v26 =	vld [tilespmem:s30+$0x0];
	s31 =	sor.u32 s21, s13;
	v5 =	vadd.s32 v20, v5  }
0x118: {  	s7 =	sor.u32 s21, s11;
	v51 =	vld [tilespmem:s31+$0x0];
	v6 =	vadd.s32 v6, v22;
	v5 =	vadd.s32 v19, v5  }
0x119: {  	s10 =	sor.u32 s21, s10;
	v6 =	vadd.s32 v23, v6;
	v19 =	vld [tilespmem:s7+$0x0];
	v5 =	vadd.s32 v18, v5  }
0x11a: {  	s11 =	sor.u32 s21, s9;
	v6 =	vadd.s32 v24, v6;
	v18 =	vld [tilespmem:s10+$0x0];
	v5 =	vadd.s32 v17, v5  }
0x11b: {  	s12 =	sor.u32 s21, s6;
	v6 =	vadd.s32 v25, v6;
	v17 =	vld [tilespmem:s11+$0x0];
	v5 =	vadd.s32 v16, v5  }
0x11c: {  	s13 =	sor.u32 s21, s5;
	v6 =	vadd.s32 v26, v6;
	v16 =	vld [tilespmem:s12+$0x0];
	v5 =	vadd.s32 v15, v5  }
0x11d: {  	s3 =	sor.u32 s21, s3;
	v6 =	vadd.s32 v51, v6;
	v15 =	vld [tilespmem:s13+$0x0];
	v5 =	vadd.s32 v14, v5  }
0x11e: {  	s2 =	sor.u32 s21, s2;
	v6 =	vadd.s32 v52, v6;
	v14 =	vld [tilespmem:s3+$0x0];
	v5 =	vadd.s32 v13, v5  }
0x11f: {  	s0 =	sor.u32 s21, s0;
	s20 =	simm.s32 $0x20;
	v6 =	vadd.s32 v19, v6;
	v13 =	vld [tilespmem:s2+$0x0];
	v5 =	vadd.s32 v12, v5  }
0x120: {  	s3 =	sand.u32 $0xF80, s20;
	v6 =	vadd.s32 v18, v6;
	v12 =	vld [tilespmem:s0+$0x0];
	s0 =	simm.s32 $0x9330;
	v5 =	vadd.s32 v11, v5  }
0x121: {  	s4 =	sand.u32 $0x60, s20;
	s10 =	sadd.s32 $0x10300, s3;
	v6 =	vadd.s32 v17, v6;
	v11 =	vld [tilespmem:s0+$0xFFFFFFF0];
	v5 =	vadd.s32 v10, v5  }
0x122: {  	s2 =	sadd.s32 $0x18300, s3;
	s1 =	sor.u32 s4, s10;
	v17 =	vld [tilespmem:s0+$0x0];
	v10 =	vadd.s32 v16, v6;
	v5 =	vadd.s32 v9, v5  }
0x123: {  	s8 =	sadd.s32 $0x11300, s3;
	s21 =	sor.u32 s4, s2;
	v18 =	vld [tilespmem:s1+$0x0];
	v9 =	vadd.s32 v15, v10;
	v8 =	vadd.s32 v8, v5  }
0x124: {  	s6 =	sadd.s32 $0x13300, s3;
	s31 =	sor.u32 s4, s8;
	v6 =	vld [tilespmem:s21+$0x0];
	v9 =	vadd.s32 v14, v9;
	v14 =	vadd.s32 v7, v8  }
0x125: {  	s9 =	sadd.s32 $0x12300, s3;
	s28 =	sor.u32 s4, s6;
	v16 =	vld [tilespmem:s31+$0x0];
	v9 =	vadd.s32 v13, v9;
	(xrf0) =	vadd.scan.msk.s32 $0xffff, v14  }
0x126: {  	s11 =	sadd.s32 $0xF300, s3;
	s30 =	sor.u32 s4, s9;
	v10 =	vld [tilespmem:s28+$0x0];
	v13 =	vadd.s32 v12, v9  }
0x127: {  	s12 =	sadd.s32 $0x17300, s3;
	s21 =	sor.u32 s4, s11;
	v15 =	vld [tilespmem:s30+$0x0];
	(xrf0) =	vadd.scan.msk.s32 $0xffff, v13  }
0x128: {  	s22 =	sor.u32 s4, s12;
	s1 =	sadd.s32 $0xB300, s3;
	v19 =	vld [tilespmem:s21+$0x0]  }
0x129: {  	s5 =	sadd.s32 $0x14300, s3;
	s21 =	sor.u32 s4, s1;
	v5 =	vld [tilespmem:s22+$0x0]  }
0x12a: {  	s26 =	sor.u32 s4, s5;
	s28 =	sadd.s32 $0xD300, s3;
	v56 =	vld [tilespmem:s21+$0x0]  }
0x12b: {  	s13 =	sadd.s32 $0x16300, s3;
	v9 =	vld [tilespmem:s26+$0x0];
	s26 =	sor.u32 s4, s28;
	v12, _, _ =	vpop (xrf0)  }
0x12c: {  	s7 =	sadd.s32 $0x15300, s3;
	s23 =	sor.u32 s4, s13;
	v54 =	vld [tilespmem:s26+$0x0];
	s26 =	simm.s32 $0x30;
	(v2sf) =	vpush v12, $0xF  }
0x12d: {  	s24 =	sor.u32 s4, s7;
	v7 =	vld [tilespmem:s23+$0x0];
	s23 =	sand.u32 $0x70, s26;
	v53, _, _ =	vpop (xrf0)  }
0x12e: {  	s20 =	sadd.s32 $0xE300, s3;
	v8 =	vld [tilespmem:s24+$0x0];
	s30 =	sor.u32 s23, s1;
	(v2sf) =	vpush v53, $0xF  }
0x12f: {  	s22 =	sor.u32 s4, s20;
	s24 =	sadd.s32 $0xC300, s3;
	s3 =	sadd.s32 $0xA300, s3;
	v59 =	vld [tilespmem:s30+$0x0]  }
0x130: {  	v12 =	vld [tilespmem:s22+$0x0];
	s22 =	sor.u32 s4, s24;
	s4 =	sor.u32 s4, s3  }
0x131: {  	s3 =	sor.u32 s23, s3;
	v57 =	vld [tilespmem:s4+$0x0]  }
0x132: {  	v58 =	vld [tilespmem:s3+$0x0]  }
0x133: {  	s31 =	sor.u32 s23, s24;
	v55 =	vld [tilespmem:s22+$0x0]  }
0x134: {  	s1 =	sor.u32 s23, s28;
	v60 =	vld [tilespmem:s31+$0x0]  }
0x135: {  	v27 =	vld [tilespmem:s1+$0x0];
	s4 =	sor.u32 s23, s20  }
0x136: {  	s11 =	sor.u32 s23, s11;
	v28 =	vld [tilespmem:s4+$0x0];
	v11 =	vadd.s32 v11, v57  }
0x137: {  	v61 =	vld [tilespmem:s11+$0x0];
	s20 =	sor.u32 s23, s10;
	v17 =	vadd.s32 v17, v58;
	v11 =	vadd.s32 v56, v11  }
0x138: {  	s21 =	sor.u32 s23, s8;
	v62 =	vld [tilespmem:s20+$0x0];
	v17 =	vadd.s32 v59, v17;
	v11 =	vadd.s32 v55, v11  }
0x139: {  	v63 =	vld [tilespmem:s21+$0x0];
	s22 =	sor.u32 s23, s9;
	s3 =	simm.s32 $0x1D310;
	v17 =	vadd.s32 v60, v17;
	v21 =	vadd.s32 v54, v11  }
0x13a: {  	s24 =	sor.u32 s23, s6;
	[tilespmem:s3+$0xFFFFFFF0] =	vst v14;
	v11 =	vld [tilespmem:s22+$0x0];
	v17 =	vadd.s32 v27, v17;
	v14 =	vadd.s32 v12, v21  }
0x13b: {  	s26 =	sor.u32 s23, s5;
	v12 =	vld [tilespmem:s24+$0x0];
	v17 =	vadd.s32 v28, v17;
	v14 =	vadd.s32 v19, v14;
	s28 =	spop (v2sf)  }
0x13c: {  	s5 =	simm.s32 $0x1;
	s30 =	sor.u32 s23, s7;
	[tilespmem:s3+$0x0] =	vst v13;
	v13 =	vld [tilespmem:s26+$0x0];
	v17 =	vadd.s32 v61, v17;
	v14 =	vadd.s32 v18, v14;
	[smem:$0x0] =	sst s28  }
0x13d: {  	s31 =	sor.u32 s23, s13;
	s10 =	simm.s32 $0x2;
	v17 =	vadd.s32 v62, v17;
	v16 =	vadd.s32 v16, v14;
	s6 =	spop (v2sf);
	v14 =	vld [tilespmem:s30+$0x0]  }
0x13e: {  	v17 =	vadd.s32 v63, v17;
	v16 =	vadd.s32 v15, v16;
	v15 =	vld [tilespmem:s31+$0x0];
	[smem:s5] =	sst s6;
	s6 =	sor.u32 s23, s12;
	s12 =	simm.s32 $0x50  }
.LBB2_27:
0x13f: {  	s4 =	sadd.s32 $0xFFFFFFF0, s12;
	v10 =	vadd.s32 v10, v16;
	v11 =	vadd.s32 v11, v17;
	v16 =	vld [tilespmem:s6+$0x0];
	s2 =	sor.u32 s23, s2  }
0x140: {  	s0 =	sadd.s32 $0x20, s0;
	s23 =	sand.u32 $0xF80, s4;
	v9 =	vadd.s32 v9, v10;
	v10 =	vadd.s32 v12, v11;
	v11 =	vld [tilespmem:s2+$0x0]  }
0x141: {  	s6 =	sand.u32 $0x60, s4;
	v12 =	vld [tilespmem:s0+$0xFFFFFFF0];
	s2 =	sadd.s32 $0x18300, s23;
	v8 =	vadd.s32 v8, v9;
	v9 =	vadd.s32 v13, v10  }
0x142: {  	s13 =	sadd.s32 $0x17300, s23;
	s4 =	sor.u32 s6, s2;
	v13 =	vld [tilespmem:s0+$0x0];
	v7 =	vadd.s32 v7, v8;
	v8 =	vadd.s32 v14, v9  }
0x143: {  	s30 =	sadd.s32 $0x16300, s23;
	s7 =	sor.u32 s6, s13;
	v14 =	vld [tilespmem:s4+$0x0];
	v7 =	vadd.s32 v5, v7;
	v8 =	vadd.s32 v15, v8  }
0x144: {  	s3 =	sadd.s32 $0x20, s3;
	s31 =	sadd.s32 $0x15300, s23;
	s4 =	sor.u32 s6, s30;
	v5 =	vld [tilespmem:s7+$0x0];
	v6 =	vadd.s32 v6, v7;
	v8 =	vadd.s32 v16, v8  }
0x145: {  	s9 =	sor.u32 s6, s31;
	s7 =	sadd.s32 $0x14300, s23;
	v7 =	vld [tilespmem:s4+$0x0];
	[tilespmem:s3+$0xFFFFFFF0] =	vst v6;
	v9 =	vadd.s32 v11, v8;
	(xrf0) =	vadd.scan.msk.s32 $0xffff, v6  }
0x146: {  	s8 =	sadd.s32 $0x13300, s23;
	s4 =	sor.u32 s6, s7;
	v8 =	vld [tilespmem:s9+$0x0];
	[tilespmem:s3+$0x0] =	vst v9;
	(xrf0) =	vadd.scan.msk.s32 $0xffff, v9  }
0x147: {  	s20 =	sor.u32 s6, s8;
	s9 =	sadd.s32 $0x12300, s23;
	v9 =	vld [tilespmem:s4+$0x0]  }
0x148: {  	s11 =	sadd.s32 $0x11300, s23;
	s4 =	sor.u32 s6, s9;
	v10 =	vld [tilespmem:s20+$0x0];
	v6 =	vmov v14  }
0x149: {  	s21 =	sor.u32 s6, s11;
	s20 =	sadd.s32 $0x10300, s23;
	v15 =	vld [tilespmem:s4+$0x0]  }
0x14a: {  	s4 =	sadd.s32 $0xF300, s23;
	s24 =	sor.u32 s6, s20;
	v14 =	vld [tilespmem:s21+$0x0]  }
0x14b: {  	s21 =	sadd.s32 $0xE300, s23;
	s28 =	sor.u32 s6, s4;
	v16 =	vld [tilespmem:s24+$0x0];
	v11, _, _ =	vpop (xrf0)  }
0x14c: {  	s24 =	sadd.s32 $0xD300, s23;
	s22 =	sor.u32 s6, s21;
	v17 =	vld [tilespmem:s28+$0x0];
	(v2sf) =	vpush v11, $0xF;
	v11, _, _ =	vpop (xrf0)  }
0x14d: {  	s28 =	sadd.s32 $0xC300, s23;
	s26 =	sor.u32 s6, s24;
	v18 =	vld [tilespmem:s22+$0x0];
	(v2sf) =	vpush v11, $0xF  }
0x14e: {  	s10 =	sadd.s32 $0x2, s10;
	s22 =	sadd.s32 $0xB300, s23;
	s1 =	sor.u32 s6, s28;
	v11 =	vld [tilespmem:s26+$0x0]  }
0x14f: {  	p1 =	slt.u32 s10, $0xFE;
	s26 =	sadd.s32 $0xA300, s23;
	s23 =	sor.u32 s6, s22;
	v19 =	vld [tilespmem:s1+$0x0]  }
0x150: {  	s1 =	sor.u32 s6, s26;
	v20 =	vld [tilespmem:s23+$0x0];
	s23 =	sand.u32 $0x70, s12  }
0x151: {  	v21 =	vld [tilespmem:s1+$0x0];
	s1 =	sor.u32 s23, s26  }
0x152: {  	v22 =	vld [tilespmem:s1+$0x0];
	s1 =	sor.u32 s23, s22  }
0x153: {  	v23 =	vld [tilespmem:s1+$0x0];
	s1 =	sor.u32 s23, s28  }
0x154: {  	v24 =	vld [tilespmem:s1+$0x0];
	s1 =	sor.u32 s23, s24  }
0x155: {  	v25 =	vld [tilespmem:s1+$0x0];
	s1 =	sor.u32 s23, s21  }
0x156: {  	v12 =	vadd.s32 v12, v21;
	v21 =	vld [tilespmem:s1+$0x0];
	s1 =	sor.u32 s23, s4  }
0x157: {  	v12 =	vadd.s32 v20, v12;
	v13 =	vadd.s32 v13, v22;
	v20 =	vld [tilespmem:s1+$0x0];
	s1 =	sor.u32 s23, s20  }
0x158: {  	v12 =	vadd.s32 v19, v12;
	v13 =	vadd.s32 v23, v13;
	v19 =	vld [tilespmem:s1+$0x0];
	s1 =	sor.u32 s23, s11  }
0x159: {  	v11 =	vadd.s32 v11, v12;
	v12 =	vadd.s32 v24, v13;
	v22 =	vld [tilespmem:s1+$0x0];
	s1 =	sor.u32 s23, s9  }
.Ltmp16:
0x15a: {  	v13 =	vadd.s32 v18, v11;
	v12 =	vadd.s32 v25, v12;
	v11 =	vld [tilespmem:s1+$0x0];
	s1 =	sor.u32 s23, s8;
	(pc) =	sbr.rel @p1 .LBB2_27-.Ltmp16, $4  }
0x15b: {  	s5 =	sadd.s32 $0x2, s5;
	v13 =	vadd.s32 v17, v13;
	v17 =	vadd.s32 v21, v12;
	v12 =	vld [tilespmem:s1+$0x0];
	s1 =	sor.u32 s23, s7;
	s4 =	spop (v2sf)  }
0x15c: {  	v16 =	vadd.s32 v16, v13;
	v17 =	vadd.s32 v20, v17;
	v13 =	vld [tilespmem:s1+$0x0];
	s1 =	sor.u32 s23, s31;
	[smem:s5+$0xFFFFFFFF] =	sst s4;
	s4 =	spop (v2sf)  }
0x15d: {  	v16 =	vadd.s32 v14, v16;
	v17 =	vadd.s32 v19, v17;
	v14 =	vld [tilespmem:s1+$0x0];
	s1 =	sor.u32 s23, s30;
	[smem:s5] =	sst s4  }
0x15e: {  	s12 =	sadd.s32 $0x20, s12;
	s6 =	sor.u32 s23, s13;
	v16 =	vadd.s32 v15, v16;
	v17 =	vadd.s32 v22, v17;
	v15 =	vld [tilespmem:s1+$0x0]  }
0x15f: {  	v10 =	vadd.s32 v10, v16;
	v11 =	vadd.s32 v11, v17;
	v59 =	vld [tilespmem:s6+$0x0];
	s0 =	sor.u32 s23, s2  }
0x160: {  	v9 =	vadd.s32 v9, v10;
	v60 =	vadd.s32 v12, v11;
	v61 =	vld [tilespmem:s0+$0x0]  }
0x161: {  	v8 =	vadd.s32 v8, v9;
	v62 =	vadd.s32 v13, v60  }
0x162: {  	v7 =	vadd.s32 v7, v8;
	v63 =	vadd.s32 v14, v62  }
0x163: {  	v5 =	vadd.s32 v5, v7;
	v7 =	vadd.s32 v15, v63  }
0x164: {  	v5 =	vadd.s32 v6, v5;
	v6 =	vadd.s32 v59, v7  }
0x165: {  	v6 =	vadd.s32 v61, v6;
	(xrf0) =	vadd.scan.msk.s32 $0xffff, v5  }
0x166: {  	(xrf0) =	vadd.scan.msk.s32 $0xffff, v6;
	_ =	sdelay $0x4  }
0x167: {  	v7, _, _ =	vpop (xrf0)  }
0x168: {  	(v2sf) =	vpush v7, $0xF;
	v7, _, _ =	vpop (xrf0)  }
0x169: {  	(v2sf) =	vpush v7, $0xF;
	_ =	sdelay $0xb  }
0x16a: {  	s24 =	sadd.s32 $0x20, s3  }
0x16b: {  	[tilespmem:s24+$0xFFFFFFF0] =	vst v5  }
0x16c: {  	s1 =	sadd.s32 $0x2, s5;
	[tilespmem:s24+$0x0] =	vst v6;
	s26 =	spop (v2sf)  }
0x16d: {  	[smem:s1+$0xFFFFFFFF] =	sst s26;
	s28 =	spop (v2sf)  }
0x16e: {  	p4 =	por $0x1, $0x1;
	[smem:s1] =	sst s28  }
.Ltmp17:
0x16f: {  	s31 =	simm.s32 $0x0;
	s1 =	sld [smem:$0xFF];
	(pc) =	sbr.rel @!p4 .LBB2_30-.Ltmp17, $4  }
0x170: {  	p1 =	por $0x0, $0x0;
	s2 =	simm.s32 $0xFE;
	s5 =	simm.s32 $0xFE  }
0x171: {  	s6 =	simm.s32 $0x0;
	s3 =	simm.s32 $0x0;
	s30 =	simm.s32 $0x0  }
0x172: {  	s0 =	simm.s32 $0xFF;
	p2 =	por !p1, !p1;
	s7 =	sadd.s32 $0x0, s1  }
0x173: {  	p2 =	por p2, p2;
	s11 =	rddreg [dreg:$0x0];
	p3 =	sgt.s32 s7, $0x7598  }
.LBB2_29:
0x174: {  	s1 =	smov.u32 s6;
	p4 =	sne.s32 s2, $0x0  }
0x175: {  	p1 =	por p1, p3;
	s4 =	smov.u32 s2;
	s2 =	sadd.s32 $0xFFFFFFFF, s2  }
0x176: {  	s8 =	smov.u32 s6;
	s6 =	smov.u32 s7;
	p5 =	por !p1, !p1  }
.Ltmp18:
0x177: {  	s6 =	smov.u32 @p1 s1;
	s9 =	sld [smem:s5+$0x0];
	(pc) =	sbr.rel @p4 .LBB2_29-.Ltmp18, $4  }
0x178: {  	p3 =	por !p3, !p2;
	p2 =	por p5, p5  }
0x179: {  	p3 =	por !p3, !p3  }
0x17a: {  	s3 =	smov.u32 @p3 s0;
	s30 =	smov.u32 @p3 s8;
	s7 =	sadd.s32 s6, s9  }
0x17b: {  	s5 =	sadd.s32 $0xFFFFFFFF, s5;
	s0 =	smov.u32 s4;
	p3 =	sgt.s32 s7, $0x7598  }
.LBB2_30:
0x17c: {  	p1 =	por !p3, !p2  }
0x17d: {  	p1 =	por !p1, !p1  }
0x17e: {  	s3 =	smov.u32 @p1 s0  }
0x17f: {  	s0 =	sshll.u32 s3, $0x4  }
0x180: {  	v5 =	vld [tilespmem:s0+$0x1D300];
	_ =	sdelay $0x4  }
0x181: {  	v6 =	vperm.xlane v5, v4;
	_ =	sdelay $0x1  }
0x182: {  	(xrf0) =	vadd.scan.msk.s32 $0xffff, v6;
	_ =	sdelay $0x5  }
0x183: {  	v6, _, _ =	vpop (xrf0)  }
0x184: {  	v6 =	vperm.xlane v6, v4  }
0x185: {  	s30 =	smov.u32 @p1 s6  }
0x186: {  	v6 =	vadd.s32 s30, v6  }
0x187: {  	vm0 =	vgt.s32 v6, $0x7598  }
0x188: {  	v6 =	vmpcnt.ones.xlane vm0;
	_ =	sdelay $0x1  }
0x189: {  	v6 =	vxor.u32 $0x80000000, v6  }
0x18a: {  	(xrf0) =	vmax.scan.msk.u32 $0xffff, v6;
	_ =	sdelay $0x5  }
0x18b: {  	v6, _, _ =	vpop (xrf0)  }
0x18c: {  	(v2sf) =	vpush v6, $0xF;
	_ =	sdelay $0xe  }
0x18d: {  	s1 =	spop (v2sf)  }
0x18e: {  	s3 =	sadd.s32 $0x7FFFFFFF, s1  }
0x18f: {  	s20 =	rddreg [dreg:$0x2];
	s0 =	sadd.s32 s3, s0  }
0x190: {  	s22 =	rddreg [dreg:$0xb];
	s0 =	sadd.s32 $0xFFFFF800, s0  }
0x191: {  	v7 =	vimm.s32 $0x0;
	s21 =	simm.s32 $0x80000;
	s24 =	rddreg [dreg:$0xc];
	v6 =	vmov s0  }
.LBB2_31:
0x192: {  	s2 =	smul.u32 $0x24C000, s31;
	_ =	sdelay $0x1  }
0x193: {  	s1 =	sadd.s32 s2, s25  }
0x194: {  	s1 =	sshrl.u32 s1, $0x3  }
0x195: {  	s28 =	simm.s32 $0x4980;
	s6 =	simm.s32 $0x600;
	s5 =	sadd.s32 s11, s1  }
0x196: {  	[tilespmem:s28], [sflag:$0x2] =	stream.strided.gather [hbm4b:s5+s14], $0x180, s15, s14, $0x38;
	[tilespmem:$0x1E600] =	vst v63  }
.LBB2_32:
0x197: {  	p1 =	sne.s32 s6, $0x12000  }
.Ltmp19:
0x198: {  	_ = 	snop;
	(pc) =	sbr.rel @p1 .LBB2_32-.Ltmp19, $4  }
0x199: {  	_ = 	snop  }
0x19a: {  	s1 =	sshra.s32 s6, $0x2;
	s6 =	sadd.s32 $0x600, s6  }
0x19b: {  	s5 =	sadd.s32 $0xC00, s5;
	s1 =	sadd.s32 $0x4980, s1  }
0x19c: {  	[tilespmem:s1], [sflag:$0x2] =	stream.strided.gather [hbm4b:s5+s14], $0x180, s15, s14, $0x38;
	[tilespmem:$0x1E600] =	vst v63  }
0x19d: {  	_ =	swait.ge [sflag:s16], $0x4980  }
0x19e: {  	s12 =	simm.s32 $0x0;
	[sflag:s16] =	ssyncset.done $0x0  }
0x19f: {  	s5 =	simm.s32 $0x0;
	s10 =	simm.s32 $0x0;
	[sflag:s16] =	ssyncadd.s32 $0xFFFFB680  }
.LBB2_34:
0x1a0: {  	s1 =	sshll.u32 s5, $0x2;
	s4 =	sand.u32 $0x7, s12  }
0x1a1: {  	s1 =	sand.u32 $0xFFFFFE00, s1;
	s4 =	sshll.u32 s4, $0x6  }
0x1a2: {  	s1 =	sor.u32 s4, s1  }
0x1a3: {  	s28 =	sshll.u32 s10, $0x4;
	s1 =	sshrl.u32 s1, $0x2  }
0x1a4: {  	v8 =	vld [tilespmem:s28+$0x1E300];
	s13 =	sadd.s32 $0x480, s1  }
0x1a5: {  	v9 =	vld [tilespmem:s13+$0xFFFFFB80];
	_ =	sdelay $0x3  }
0x1a6: {  	v10 =	vld [tilespmem:s13+$0xFFFFFD00]  }
0x1a7: {  	v9 =	vmul.f32 v9, v8;
	_ =	sdelay $0x1  }
0x1a8: {  	v11 =	vshra.s32 v9, $0x1F  }
0x1a9: {  	v12 =	vld [tilespmem:s13+$0xFFFFFE80];
	v11 =	vand.u32 $0x7FFFFFFF, v11  }
0x1aa: {  	v11 =	vxor.u32 v9, v11;
	v9 =	vmul.f32 v10, v8  }
0x1ab: {  	v10 =	vshra.s32 v11, $0x14  }
0x1ac: {  	vm1 =	vlt.s32 v7, $0x400;
	vm0 =	veq.s32 v10, v6;
	v10 =	vshra.s32 v9, $0x1F  }
0x1ad: {  	v13 =	vshll.u32 v7, $0x4;
	v14 =	vld [tilespmem:s13+$0x0];
	vm1 =	vmand vm1, vm0;
	v10 =	vand.u32 $0x7FFFFFFF, v10  }
0x1ae: {  	v15 =	vsel vm1, $0x1, v1;
	v16 =	vxor.u32 v9, v10;
	v9 =	vmul.f32 v12, v8  }
0x1af: {  	v10 =	vor.u32 v0, v13;
	v12 =	vadd.s32 v15, v7;
	v7 =	vshra.s32 v16, $0x14  }
0x1b0: {  	vm0 =	veq.s32 v7, v6;
	vm2 =	vlt.s32 v12, $0x400;
	v7 =	vshra.s32 v9, $0x1F  }
0x1b1: {  	v13 =	vshll.u32 v12, $0x4;
	vm2 =	vmand vm0, vm2;
	v7 =	vand.u32 $0x7FFFFFFF, v7  }
0x1b2: {  	v17 =	vsel vm2, $0x1, v1;
	v7 =	vxor.u32 v9, v7;
	v9 =	vmul.f32 v14, v8  }
0x1b3: {  	v15 =	vld [tilespmem:s13+$0x180];
	v14 =	vor.u32 v0, v13;
	v13 =	vadd.s32 v17, v12;
	v12 =	vshra.s32 v7, $0x14  }
0x1b4: {  	vm0 =	veq.s32 v12, v6;
	vm3 =	vlt.s32 v13, $0x400  }
0x1b5: {  	vm0 =	vmand vm0, vm3  }
0x1b6: {  	v12 =	vshra.s32 v9, $0x1F;
	v18 =	vsel vm0, $0x1, v1  }
0x1b7: {  	[tilespmem:v10+s19+$0x0] =	vst.idx.msk vm1, v11;
	v17 =	vshll.u32 v13, $0x4;
	v12 =	vand.u32 $0x7FFFFFFF, v12;
	v11 =	vadd.s32 v18, v13;
	v13 =	vld [tilespmem:s13+$0x300]  }
0x1b8: {  	v9 =	vxor.u32 v9, v12;
	v12 =	vmul.f32 v15, v8  }
0x1b9: {  	v10 =	vor.u32 v0, v17;
	v15 =	vshra.s32 v9, $0x14  }
0x1ba: {  	s23 =	simm.s32 $0x0;
	[tilespmem:v14+s19+$0x0] =	vst.idx.msk vm2, v16;
	vm1 =	veq.s32 v15, v6;
	vm2 =	vlt.s32 v11, $0x400;
	v14 =	vshra.s32 v12, $0x1F  }
.LBB2_35:
0x1bb: {  	s23 =	sadd.s32 $0x7, s23;
	vm1 =	vmand vm1, vm2;
	v15 =	vshll.u32 v11, $0x4;
	v14 =	vand.u32 $0x7FFFFFFF, v14;
	v16 =	vld [tilespmem:s13+$0x480]  }
0x1bc: {  	p1 =	slt.u32 s23, $0x2A;
	v17 =	vsel vm1, $0x1, v1;
	v12 =	vxor.u32 v12, v14;
	v13 =	vmul.f32 v13, v8  }
0x1bd: {  	v14 =	vor.u32 v0, v15;
	v11 =	vadd.s32 v17, v11;
	v15 =	vshra.s32 v12, $0x14  }
0x1be: {  	s13 =	sadd.s32 $0xA80, s13;
	[tilespmem:v10+s19+$0x0] =	vst.idx.msk vm0, v7;
	vm0 =	veq.s32 v15, v6;
	vm2 =	vlt.s32 v11, $0x400;
	v7 =	vshra.s32 v13, $0x1F  }
0x1bf: {  	v15 =	vshll.u32 v11, $0x4;
	v10 =	vld [tilespmem:s13+$0xFFFFFB80];
	vm2 =	vmand vm0, vm2;
	v7 =	vand.u32 $0x7FFFFFFF, v7  }
0x1c0: {  	v17 =	vsel vm2, $0x1, v1;
	v7 =	vxor.u32 v13, v7;
	v13 =	vmul.f32 v16, v8  }
0x1c1: {  	v15 =	vor.u32 v0, v15;
	v11 =	vadd.s32 v17, v11;
	v16 =	vshra.s32 v7, $0x14  }
0x1c2: {  	[tilespmem:v14+s19+$0x0] =	vst.idx.msk vm1, v9;
	vm0 =	veq.s32 v16, v6;
	vm1 =	vlt.s32 v11, $0x400;
	v9 =	vshra.s32 v13, $0x1F  }
0x1c3: {  	v16 =	vshll.u32 v11, $0x4;
	v14 =	vld [tilespmem:s13+$0xFFFFFD00];
	vm0 =	vmand vm0, vm1;
	v9 =	vand.u32 $0x7FFFFFFF, v9  }
0x1c4: {  	v10 =	vmul.f32 v10, v8;
	v17 =	vsel vm0, $0x1, v1;
	v9 =	vxor.u32 v13, v9  }
0x1c5: {  	v13 =	vor.u32 v0, v16;
	v11 =	vadd.s32 v17, v11;
	v16 =	vshra.s32 v9, $0x14  }
0x1c6: {  	v17 =	vshra.s32 v10, $0x1F;
	[tilespmem:v15+s19+$0x0] =	vst.idx.msk vm2, v12;
	vm1 =	veq.s32 v16, v6;
	vm2 =	vlt.s32 v11, $0x400  }
0x1c7: {  	v16 =	vshll.u32 v11, $0x4;
	v12 =	vand.u32 $0x7FFFFFFF, v17;
	v15 =	vld [tilespmem:s13+$0xFFFFFE80];
	vm1 =	vmand vm1, vm2  }
0x1c8: {  	v10 =	vxor.u32 v10, v12;
	v12 =	vmul.f32 v14, v8;
	v14 =	vsel vm1, $0x1, v1  }
0x1c9: {  	v16 =	vor.u32 v0, v16;
	v17 =	vshra.s32 v10, $0x14;
	v11 =	vadd.s32 v14, v11  }
0x1ca: {  	vm2 =	veq.s32 v17, v6;
	vm3 =	vlt.s32 v11, $0x400;
	v14 =	vshra.s32 v12, $0x1F;
	[tilespmem:v13+s19+$0x0] =	vst.idx.msk vm0, v7  }
0x1cb: {  	v7 =	vshll.u32 v11, $0x4;
	vm0 =	vmand vm3, vm2;
	v13 =	vand.u32 $0x7FFFFFFF, v14;
	v14 =	vld [tilespmem:s13+$0x0]  }
0x1cc: {  	v17 =	vsel vm0, $0x1, v1;
	v18 =	vxor.u32 v12, v13;
	v12 =	vmul.f32 v15, v8  }
0x1cd: {  	v13 =	vor.u32 v0, v7;
	v11 =	vadd.s32 v17, v11;
	v7 =	vshra.s32 v18, $0x14  }
0x1ce: {  	vm2 =	veq.s32 v7, v6;
	vm3 =	vlt.s32 v11, $0x400;
	v7 =	vshra.s32 v12, $0x1F;
	[tilespmem:v16+s19+$0x0] =	vst.idx.msk vm1, v9  }
0x1cf: {  	v9 =	vshll.u32 v11, $0x4;
	vm1 =	vmand vm2, vm3;
	v7 =	vand.u32 $0x7FFFFFFF, v7;
	v15 =	vld [tilespmem:s13+$0x180]  }
0x1d0: {  	v16 =	vsel vm1, $0x1, v1;
	v7 =	vxor.u32 v12, v7;
	v12 =	vmul.f32 v14, v8  }
0x1d1: {  	v14 =	vor.u32 v0, v9;
	v11 =	vadd.s32 v16, v11;
	v9 =	vshra.s32 v7, $0x14  }
.Ltmp20:
0x1d2: {  	[tilespmem:v13+s19+$0x0] =	vst.idx.msk vm0, v10;
	vm0 =	veq.s32 v9, v6;
	vm2 =	vlt.s32 v11, $0x400;
	v9 =	vshra.s32 v12, $0x1F;
	(pc) =	sbr.rel @p1 .LBB2_35-.Ltmp20, $4  }
0x1d3: {  	v10 =	vshll.u32 v11, $0x4;
	vm0 =	vmand vm0, vm2;
	v9 =	vand.u32 $0x7FFFFFFF, v9;
	v13 =	vld [tilespmem:s13+$0x300]  }
0x1d4: {  	v16 =	vsel vm0, $0x1, v1;
	v9 =	vxor.u32 v12, v9;
	v12 =	vmul.f32 v15, v8  }
0x1d5: {  	v10 =	vor.u32 v0, v10;
	v11 =	vadd.s32 v16, v11;
	v15 =	vshra.s32 v9, $0x14  }
0x1d6: {  	[tilespmem:v14+s19+$0x0] =	vst.idx.msk vm1, v18;
	vm1 =	veq.s32 v15, v6;
	vm2 =	vlt.s32 v11, $0x400;
	v14 =	vshra.s32 v12, $0x1F  }
0x1d7: {  	vm1 =	vmand vm1, vm2;
	v14 =	vand.u32 $0x7FFFFFFF, v14;
	v15 =	vld [tilespmem:s13+$0x480]  }
0x1d8: {  	v16 =	vsel vm1, $0x1, v1;
	v12 =	vxor.u32 v12, v14;
	v13 =	vmul.f32 v13, v8  }
0x1d9: {  	v54 =	vadd.s32 v16, v11;
	v55 =	vshra.s32 v12, $0x14  }
0x1da: {  	vm13 =	veq.s32 v55, v6;
	vm3 =	vlt.s32 v54, $0x400;
	v56 =	vshra.s32 v13, $0x1F  }
0x1db: {  	vm2 =	vmand vm13, vm3;
	v16 =	vand.u32 $0x7FFFFFFF, v56  }
0x1dc: {  	v17 =	vsel vm2, $0x1, v1;
	v13 =	vxor.u32 v13, v16;
	v8 =	vmul.f32 v15, v8  }
0x1dd: {  	v57 =	vshll.u32 v11, $0x4;
	v58 =	vadd.s32 v17, v54;
	v16 =	vshra.s32 v13, $0x14  }
0x1de: {  	vm14 =	veq.s32 v16, v6;
	vm4 =	vlt.s32 v58, $0x400;
	v59 =	vshra.s32 v8, $0x1F  }
0x1df: {  	v11 =	vor.u32 v0, v57;
	vm3 =	vmand vm14, vm4;
	v16 =	vand.u32 $0x7FFFFFFF, v59  }
0x1e0: {  	v14 =	vshll.u32 v54, $0x4;
	v60 =	vsel vm3, $0x1, v1;
	v8 =	vxor.u32 v8, v16  }
0x1e1: {  	v14 =	vor.u32 v0, v14;
	v61 =	vadd.s32 v60, v58;
	v62 =	vshra.s32 v8, $0x14  }
0x1e2: {  	v15 =	vshll.u32 v58, $0x4;
	vm15 =	veq.s32 v62, v6;
	vm5 =	vlt.s32 v61, $0x400  }
0x1e3: {  	s10 =	sadd.s32 $0x1, s10;
	v15 =	vor.u32 v0, v15;
	v63 =	vshll.u32 v61, $0x4;
	vm4 =	vmand vm15, vm5  }
0x1e4: {  	p1 =	sne.s32 s10, $0x18;
	v17 =	vor.u32 v0, v63  }
.Ltmp21:
0x1e5: {  	[tilespmem:v10+s19+$0x0] =	vst.idx.msk vm0, v7;
	(pc) =	sbr.rel @p1 .LBB2_34-.Ltmp21, $4  }
0x1e6: {  	[tilespmem:v11+s19+$0x0] =	vst.idx.msk vm1, v9  }
0x1e7: {  	[tilespmem:v14+s19+$0x0] =	vst.idx.msk vm2, v12  }
0x1e8: {  	v7 =	vsel vm4, $0x1, v1;
	[tilespmem:v15+s19+$0x0] =	vst.idx.msk vm3, v13  }
0x1e9: {  	s5 =	sadd.s32 $0x10, s5;
	s12 =	sadd.s32 $0x1, s12;
	v7 =	vadd.s32 v7, v61;
	[tilespmem:v17+s19+$0x0] =	vst.idx.msk vm4, v8  }
0x1ea: {  	p1 =	seq.s32 s31, $0x7  }
.Ltmp22:
0x1eb: {  	_ = 	snop;
	(pc) =	sbr.rel @p1 .LBB2_41-.Ltmp22, $1  }
0x1ec: {  	_ =	sdelay $0x3  }
0x1ed: {  	s1 =	sadd.s32 s2, s24  }
0x1ee: {  	s1 =	sshrl.u32 s1, $0x3  }
0x1ef: {  	s2 =	sadd.s32 s11, s1  }
0x1f0: {  	s5 =	simm.s32 $0x600;
	s7 =	simm.s32 $0x0;
	s6 =	sadd.s32 $0xC00, s2  }
.LBB2_39:
0x1f1: {  	[tilespmem:s7], [sflag:$0x1] =	stream.strided.gather [hbm4b:s2+s14], $0x180, s15, s14, $0x38;
	[tilespmem:$0x1E600] =	vst v63  }
0x1f2: {  	s1 =	smov.u32 s5;
	s2 =	smov.u32 s6;
	p1 =	sne.s32 s5, $0x12000  }
.Ltmp23:
0x1f3: {  	s5 =	sadd.s32 $0x600, s5;
	(pc) =	sbr.rel @p1 .LBB2_39-.Ltmp23, $2  }
0x1f4: {  	_ =	sdelay $0x2  }
0x1f5: {  	s6 =	sadd.s32 $0xC00, s6;
	s7 =	sshra.s32 s1, $0x2  }
0x1f6: {  	[tilespmem:s7], [sflag:$0x1] =	stream.strided.gather [hbm4b:s2+s14], $0x180, s15, s14, $0x38;
	[tilespmem:$0x1E600] =	vst v63  }
.LBB2_41:
0x1f7: {  	_ =	swait.ge [sflag:s18], $0x4980  }
0x1f8: {  	s2 =	simm.s32 $0x0;
	[sflag:s18] =	ssyncset.done $0x0  }
0x1f9: {  	s5 =	simm.s32 $0x0;
	s10 =	simm.s32 $0x0;
	[sflag:s18] =	ssyncadd.s32 $0xFFFFB680  }
.LBB2_42:
0x1fa: {  	s1 =	sshll.u32 s5, $0x2;
	s4 =	sand.u32 $0x7, s2  }
0x1fb: {  	s1 =	sand.u32 $0xFFFFFE00, s1;
	s4 =	sshll.u32 s4, $0x6  }
0x1fc: {  	s1 =	sor.u32 s4, s1  }
0x1fd: {  	s28 =	sshll.u32 s10, $0x4;
	s1 =	sshrl.u32 s1, $0x2  }
0x1fe: {  	v8 =	vld [tilespmem:s28+$0x1E300];
	s12 =	sadd.s32 $0x4E00, s1  }
0x1ff: {  	v9 =	vld [tilespmem:s12+$0xFFFFFB80];
	_ =	sdelay $0x3  }
0x200: {  	v10 =	vld [tilespmem:s12+$0xFFFFFD00]  }
0x201: {  	v9 =	vmul.f32 v9, v8;
	_ =	sdelay $0x1  }
0x202: {  	v11 =	vshra.s32 v9, $0x1F  }
0x203: {  	v12 =	vld [tilespmem:s12+$0xFFFFFE80];
	v11 =	vand.u32 $0x7FFFFFFF, v11  }
0x204: {  	v11 =	vxor.u32 v9, v11;
	v9 =	vmul.f32 v10, v8  }
0x205: {  	v10 =	vshra.s32 v11, $0x14  }
0x206: {  	vm1 =	vlt.s32 v7, $0x400;
	vm0 =	veq.s32 v10, v6;
	v10 =	vshra.s32 v9, $0x1F  }
0x207: {  	v13 =	vshll.u32 v7, $0x4;
	v14 =	vld [tilespmem:s12+$0x0];
	vm1 =	vmand vm1, vm0;
	v10 =	vand.u32 $0x7FFFFFFF, v10  }
0x208: {  	v15 =	vsel vm1, $0x1, v1;
	v16 =	vxor.u32 v9, v10;
	v9 =	vmul.f32 v12, v8  }
0x209: {  	v10 =	vor.u32 v0, v13;
	v12 =	vadd.s32 v15, v7;
	v7 =	vshra.s32 v16, $0x14  }
0x20a: {  	vm0 =	veq.s32 v7, v6;
	vm2 =	vlt.s32 v12, $0x400;
	v7 =	vshra.s32 v9, $0x1F  }
0x20b: {  	v13 =	vshll.u32 v12, $0x4;
	vm2 =	vmand vm0, vm2;
	v7 =	vand.u32 $0x7FFFFFFF, v7  }
0x20c: {  	v17 =	vsel vm2, $0x1, v1;
	v7 =	vxor.u32 v9, v7;
	v9 =	vmul.f32 v14, v8  }
0x20d: {  	v15 =	vld [tilespmem:s12+$0x180];
	v14 =	vor.u32 v0, v13;
	v13 =	vadd.s32 v17, v12;
	v12 =	vshra.s32 v7, $0x14  }
0x20e: {  	vm0 =	veq.s32 v12, v6;
	vm3 =	vlt.s32 v13, $0x400  }
0x20f: {  	vm0 =	vmand vm0, vm3  }
0x210: {  	v12 =	vshra.s32 v9, $0x1F;
	v18 =	vsel vm0, $0x1, v1  }
0x211: {  	[tilespmem:v10+s19+$0x0] =	vst.idx.msk vm1, v11;
	v17 =	vshll.u32 v13, $0x4;
	v12 =	vand.u32 $0x7FFFFFFF, v12;
	v11 =	vadd.s32 v18, v13;
	v13 =	vld [tilespmem:s12+$0x300]  }
0x212: {  	v9 =	vxor.u32 v9, v12;
	v12 =	vmul.f32 v15, v8  }
0x213: {  	v10 =	vor.u32 v0, v17;
	v15 =	vshra.s32 v9, $0x14  }
0x214: {  	s13 =	simm.s32 $0x0;
	[tilespmem:v14+s19+$0x0] =	vst.idx.msk vm2, v16;
	vm1 =	veq.s32 v15, v6;
	vm2 =	vlt.s32 v11, $0x400;
	v14 =	vshra.s32 v12, $0x1F  }
.LBB2_43:
0x215: {  	s13 =	sadd.s32 $0x7, s13;
	vm1 =	vmand vm1, vm2;
	v15 =	vshll.u32 v11, $0x4;
	v14 =	vand.u32 $0x7FFFFFFF, v14;
	v16 =	vld [tilespmem:s12+$0x480]  }
0x216: {  	p1 =	slt.u32 s13, $0x2A;
	v17 =	vsel vm1, $0x1, v1;
	v12 =	vxor.u32 v12, v14;
	v13 =	vmul.f32 v13, v8  }
0x217: {  	v14 =	vor.u32 v0, v15;
	v11 =	vadd.s32 v17, v11;
	v15 =	vshra.s32 v12, $0x14  }
0x218: {  	s12 =	sadd.s32 $0xA80, s12;
	[tilespmem:v10+s19+$0x0] =	vst.idx.msk vm0, v7;
	vm0 =	veq.s32 v15, v6;
	vm2 =	vlt.s32 v11, $0x400;
	v7 =	vshra.s32 v13, $0x1F  }
0x219: {  	v15 =	vshll.u32 v11, $0x4;
	v10 =	vld [tilespmem:s12+$0xFFFFFB80];
	vm2 =	vmand vm0, vm2;
	v7 =	vand.u32 $0x7FFFFFFF, v7  }
0x21a: {  	v17 =	vsel vm2, $0x1, v1;
	v7 =	vxor.u32 v13, v7;
	v13 =	vmul.f32 v16, v8  }
0x21b: {  	v15 =	vor.u32 v0, v15;
	v11 =	vadd.s32 v17, v11;
	v16 =	vshra.s32 v7, $0x14  }
0x21c: {  	[tilespmem:v14+s19+$0x0] =	vst.idx.msk vm1, v9;
	vm0 =	veq.s32 v16, v6;
	vm1 =	vlt.s32 v11, $0x400;
	v9 =	vshra.s32 v13, $0x1F  }
0x21d: {  	v16 =	vshll.u32 v11, $0x4;
	v14 =	vld [tilespmem:s12+$0xFFFFFD00];
	vm0 =	vmand vm0, vm1;
	v9 =	vand.u32 $0x7FFFFFFF, v9  }
0x21e: {  	v10 =	vmul.f32 v10, v8;
	v17 =	vsel vm0, $0x1, v1;
	v9 =	vxor.u32 v13, v9  }
0x21f: {  	v13 =	vor.u32 v0, v16;
	v11 =	vadd.s32 v17, v11;
	v16 =	vshra.s32 v9, $0x14  }
0x220: {  	v17 =	vshra.s32 v10, $0x1F;
	[tilespmem:v15+s19+$0x0] =	vst.idx.msk vm2, v12;
	vm1 =	veq.s32 v16, v6;
	vm2 =	vlt.s32 v11, $0x400  }
0x221: {  	v16 =	vshll.u32 v11, $0x4;
	v12 =	vand.u32 $0x7FFFFFFF, v17;
	v15 =	vld [tilespmem:s12+$0xFFFFFE80];
	vm1 =	vmand vm1, vm2  }
0x222: {  	v10 =	vxor.u32 v10, v12;
	v12 =	vmul.f32 v14, v8;
	v14 =	vsel vm1, $0x1, v1  }
0x223: {  	v16 =	vor.u32 v0, v16;
	v17 =	vshra.s32 v10, $0x14;
	v11 =	vadd.s32 v14, v11  }
0x224: {  	vm2 =	veq.s32 v17, v6;
	vm3 =	vlt.s32 v11, $0x400;
	v14 =	vshra.s32 v12, $0x1F;
	[tilespmem:v13+s19+$0x0] =	vst.idx.msk vm0, v7  }
0x225: {  	v7 =	vshll.u32 v11, $0x4;
	vm0 =	vmand vm3, vm2;
	v13 =	vand.u32 $0x7FFFFFFF, v14;
	v14 =	vld [tilespmem:s12+$0x0]  }
0x226: {  	v17 =	vsel vm0, $0x1, v1;
	v18 =	vxor.u32 v12, v13;
	v12 =	vmul.f32 v15, v8  }
0x227: {  	v13 =	vor.u32 v0, v7;
	v11 =	vadd.s32 v17, v11;
	v7 =	vshra.s32 v18, $0x14  }
0x228: {  	vm2 =	veq.s32 v7, v6;
	vm3 =	vlt.s32 v11, $0x400;
	v7 =	vshra.s32 v12, $0x1F;
	[tilespmem:v16+s19+$0x0] =	vst.idx.msk vm1, v9  }
0x229: {  	v9 =	vshll.u32 v11, $0x4;
	vm1 =	vmand vm2, vm3;
	v7 =	vand.u32 $0x7FFFFFFF, v7;
	v15 =	vld [tilespmem:s12+$0x180]  }
0x22a: {  	v16 =	vsel vm1, $0x1, v1;
	v7 =	vxor.u32 v12, v7;
	v12 =	vmul.f32 v14, v8  }
0x22b: {  	v14 =	vor.u32 v0, v9;
	v11 =	vadd.s32 v16, v11;
	v9 =	vshra.s32 v7, $0x14  }
.Ltmp24:
0x22c: {  	[tilespmem:v13+s19+$0x0] =	vst.idx.msk vm0, v10;
	vm0 =	veq.s32 v9, v6;
	vm2 =	vlt.s32 v11, $0x400;
	v9 =	vshra.s32 v12, $0x1F;
	(pc) =	sbr.rel @p1 .LBB2_43-.Ltmp24, $4  }
0x22d: {  	v10 =	vshll.u32 v11, $0x4;
	vm0 =	vmand vm0, vm2;
	v9 =	vand.u32 $0x7FFFFFFF, v9;
	v13 =	vld [tilespmem:s12+$0x300]  }
0x22e: {  	v16 =	vsel vm0, $0x1, v1;
	v9 =	vxor.u32 v12, v9;
	v12 =	vmul.f32 v15, v8  }
0x22f: {  	v10 =	vor.u32 v0, v10;
	v11 =	vadd.s32 v16, v11;
	v15 =	vshra.s32 v9, $0x14  }
0x230: {  	[tilespmem:v14+s19+$0x0] =	vst.idx.msk vm1, v18;
	vm1 =	veq.s32 v15, v6;
	vm2 =	vlt.s32 v11, $0x400;
	v14 =	vshra.s32 v12, $0x1F  }
0x231: {  	vm1 =	vmand vm1, vm2;
	v14 =	vand.u32 $0x7FFFFFFF, v14;
	v15 =	vld [tilespmem:s12+$0x480]  }
0x232: {  	v16 =	vsel vm1, $0x1, v1;
	v12 =	vxor.u32 v12, v14;
	v13 =	vmul.f32 v13, v8  }
0x233: {  	v54 =	vadd.s32 v16, v11;
	v55 =	vshra.s32 v12, $0x14  }
0x234: {  	vm13 =	veq.s32 v55, v6;
	vm3 =	vlt.s32 v54, $0x400;
	v56 =	vshra.s32 v13, $0x1F  }
0x235: {  	vm2 =	vmand vm13, vm3;
	v16 =	vand.u32 $0x7FFFFFFF, v56  }
0x236: {  	v17 =	vsel vm2, $0x1, v1;
	v13 =	vxor.u32 v13, v16;
	v8 =	vmul.f32 v15, v8  }
0x237: {  	v57 =	vshll.u32 v11, $0x4;
	v58 =	vadd.s32 v17, v54;
	v16 =	vshra.s32 v13, $0x14  }
0x238: {  	vm14 =	veq.s32 v16, v6;
	vm4 =	vlt.s32 v58, $0x400;
	v59 =	vshra.s32 v8, $0x1F  }
0x239: {  	v11 =	vor.u32 v0, v57;
	vm3 =	vmand vm14, vm4;
	v16 =	vand.u32 $0x7FFFFFFF, v59  }
0x23a: {  	v14 =	vshll.u32 v54, $0x4;
	v60 =	vsel vm3, $0x1, v1;
	v8 =	vxor.u32 v8, v16  }
0x23b: {  	v14 =	vor.u32 v0, v14;
	v61 =	vadd.s32 v60, v58;
	v62 =	vshra.s32 v8, $0x14  }
0x23c: {  	v15 =	vshll.u32 v58, $0x4;
	vm15 =	veq.s32 v62, v6;
	vm5 =	vlt.s32 v61, $0x400  }
0x23d: {  	s10 =	sadd.s32 $0x1, s10;
	v15 =	vor.u32 v0, v15;
	v63 =	vshll.u32 v61, $0x4;
	vm4 =	vmand vm15, vm5  }
0x23e: {  	p1 =	sne.s32 s10, $0x18;
	v17 =	vor.u32 v0, v63  }
.Ltmp25:
0x23f: {  	[tilespmem:v10+s19+$0x0] =	vst.idx.msk vm0, v7;
	(pc) =	sbr.rel @p1 .LBB2_42-.Ltmp25, $4  }
0x240: {  	[tilespmem:v11+s19+$0x0] =	vst.idx.msk vm1, v9  }
0x241: {  	[tilespmem:v14+s19+$0x0] =	vst.idx.msk vm2, v12  }
0x242: {  	v7 =	vsel vm4, $0x1, v1;
	[tilespmem:v15+s19+$0x0] =	vst.idx.msk vm3, v13  }
0x243: {  	s5 =	sadd.s32 $0x10, s5;
	s2 =	sadd.s32 $0x1, s2;
	v7 =	vadd.s32 v7, v61;
	[tilespmem:v17+s19+$0x0] =	vst.idx.msk vm4, v8  }
0x244: {  	s31 =	sadd.s32 $0x1, s31  }
0x245: {  	p1 =	sne.s32 s31, $0x8  }
.Ltmp26:
0x246: {  	_ = 	snop;
	(pc) =	sbr.rel @p1 .LBB2_31-.Ltmp26, $1  }
0x247: {  	_ =	sdelay $0x3  }
0x248: {  	s2 =	simm.s32 $0x600  }
0x249: {  	s6 =	simm.s32 $0x0;
	s5 =	sadd.s32 $0xC00, s29;
	s4 =	rddreg [dreg:$0xd]  }
.LBB2_47:
0x24a: {  	[tilespmem:s6], [sflag:$0x1] =	stream.strided.gather [hbm4b:s29+s14], $0x180, s15, s14, $0x38;
	[tilespmem:$0x1E600] =	vst v63  }
0x24b: {  	s1 =	smov.u32 s2;
	s29 =	smov.u32 s5;
	p1 =	sne.s32 s2, $0x12000  }
.Ltmp27:
0x24c: {  	s2 =	sadd.s32 $0x600, s2;
	(pc) =	sbr.rel @p1 .LBB2_47-.Ltmp27, $2  }
0x24d: {  	_ =	sdelay $0x2  }
0x24e: {  	s5 =	sadd.s32 $0xC00, s5;
	s6 =	sshra.s32 s1, $0x2  }
0x24f: {  	[tilespmem:s6], [sflag:$0x1] =	stream.strided.gather [hbm4b:s29+s14], $0x180, s15, s14, $0x38;
	[tilespmem:$0x1E600] =	vst v63  }
0x250: {  	s1 =	sshrl.u32 s25, $0x3  }
0x251: {  	s31 =	simm.s32 $0x4980;
	s5 =	simm.s32 $0x600;
	s2 =	sadd.s32 s11, s1  }
0x252: {  	[tilespmem:s31], [sflag:$0x2] =	stream.strided.gather [hbm4b:s2+s14], $0x180, s15, s14, $0x38;
	[tilespmem:$0x1E600] =	vst v63  }
.LBB2_49:
0x253: {  	p1 =	sne.s32 s5, $0x12000  }
.Ltmp28:
0x254: {  	_ = 	snop;
	(pc) =	sbr.rel @p1 .LBB2_49-.Ltmp28, $4  }
0x255: {  	_ = 	snop  }
0x256: {  	s1 =	sshra.s32 s5, $0x2;
	s5 =	sadd.s32 $0x600, s5  }
0x257: {  	s2 =	sadd.s32 $0xC00, s2;
	s1 =	sadd.s32 $0x4980, s1  }
0x258: {  	[tilespmem:s1], [sflag:$0x2] =	stream.strided.gather [hbm4b:s2+s14], $0x180, s15, s14, $0x38;
	[tilespmem:$0x1E600] =	vst v63  }
0x259: {  	v6 =	vmov s3  }
0x25a: {  	vm0 =	vlt.s32 v6, v0  }
0x25b: {  	v5 =	vnsel vm0, $0x0, v5  }
0x25c: {  	(xrf0) =	vadd.scan.msk.s32 $0xffff, v5;
	v5 =	vxor.u32 $0x80000000, v7  }
0x25d: {  	(xrf0) =	vmax.scan.msk.u32 $0xffff, v5;
	_ =	sdelay $0x4  }
0x25e: {  	v5, _, _ =	vpop (xrf0)  }
0x25f: {  	(v2sf) =	vpush v5, $0xF;
	v5, _, _ =	vpop (xrf0)  }
0x260: {  	(v2sf) =	vpush v5, $0xF;
	_ =	sdelay $0xc  }
.Ltmp29:
0x261: {  	_ = 	snop;
	(pc) =	sbr.rel .LBB2_51-.Ltmp29, $4  }
0x262: {  	s1 =	spop (v2sf)  }
0x263: {  	s31 =	spop (v2sf)  }
0x264: {  	s0 =	sshll.u32 s0, $0x14;
	s3 =	sxor.u32 $0x80000000, s31  }
0x265: {  	s5 =	simm.s32 $0x0;
	s2 =	sadd.s32 s30, s1;
	p1 =	slt.s32 s3, $0x1  }
.LBB2_52:
0x266: {  	v5 =	vimm.s32 $0x0  }
.LBB2_53:
0x267: {  	(xrf0) =	vadd.scan.msk.s32 $0xffff, v5;
	_ =	sdelay $0x5  }
0x268: {  	v5, _, _ =	vpop (xrf0)  }
0x269: {  	(v2sf) =	vpush v5, $0xF;
	_ =	sdelay $0xb  }
0x26a: {  	s5 =	sadd.s32 $0x1, s5  }
0x26b: {  	p3 =	seq.s32 s5, $0x14  }
.Ltmp30:
0x26c: {  	_ = 	snop;
	(pc) =	sbr.rel @p3 .LBB2_54-.Ltmp30, $4  }
0x26d: {  	s1 =	spop (v2sf)  }
0x26e: {  	s1 =	sadd.s32 s1, s2  }
0x26f: {  	p2 =	sgt.s32 s1, $0x7598  }
0x270: {  	s0 =	smov.u32 @p2 s6  }
.LBB2_51:
.Ltmp31:
0x271: {  	(pc) =	sbr.rel @p1 .LBB2_52-.Ltmp31, $3  }
0x272: {  	_ =	sdelay $0x1  }
0x273: {  	s1 =	sshrl.u32 s21, s5  }
0x274: {  	s6 =	sadd.s32 s1, s0  }
0x275: {  	p3 =	seq.s32 s3, $0x1  }
.Ltmp32:
0x276: {  	_ = 	snop;
	(pc) =	sbr.rel @p3 .LBB2_74-.Ltmp32, $3  }
0x277: {  	_ =	sdelay $0x1  }
0x278: {  	s9 =	simm.s32 $0x19300  }
0x279: {  	v6 =	vmov s6;
	s8 =	simm.s32 $0x0;
	v5 =	vimm.s32 $0x0;
	s7 =	simm.s32 $0x1;
	p2 =	por $0x0, $0x0;
	v8 =	vld [tilespmem:s9+$0x0]  }
0x27a: {  	_ = 	snop  }
0x27b: {  	p3 =	seq.s32 s3, $0x2  }
.Ltmp33:
0x27c: {  	_ = 	snop;
	(pc) =	sbr.rel @p3 .LBB2_76-.Ltmp33, $4  }
0x27d: {  	v9 =	vmov s8  }
0x27e: {  	vm0 =	vlt.s32 v9, v7;
	vm1 =	vge.s32 v8, v6  }
0x27f: {  	s8 =	simm.s32 $0x19310;
	vm0 =	vmand vm0, vm1  }
0x280: {  	s9 =	simm.s32 $0x2;
	p2 =	por $0x1, $0x1;
	v9 =	vimm.s32 $0x0;
	v8 =	vld [tilespmem:s8+$0x0];
	v10 =	vsel vm0, $0x1, v1  }
.LBB2_77:
0x281: {  	s1 =	smov.u32 s9;
	s9 =	sadd.s32 $0x1, s9  }
0x282: {  	v9 =	vadd.s32 v10, v9;
	p3 =	seq.s32 s3, s9  }
.Ltmp34:
0x283: {  	(pc) =	sbr.rel @!p3 .LBB2_77-.Ltmp34, $4  }
0x284: {  	v10 =	vmov s7;
	s7 =	smov.u32 s1  }
0x285: {  	s8 =	sadd.s32 $0x10, s8;
	vm0 =	vlt.s32 v10, v7;
	vm1 =	vge.s32 v8, v6  }
0x286: {  	v8 =	vld [tilespmem:s8+$0x0];
	vm0 =	vmand vm0, vm1  }
0x287: {  	v10 =	vsel vm0, $0x1, v1  }
0x288: {  	s8 =	smov.u32 s7  }
.LBB2_79:
0x289: {  	_ = 	snop  }
.Ltmp35:
0x28a: {  	v11 =	vmov s8;
	(pc) =	sbr.rel .LBB2_53-.Ltmp35, $4  }
0x28b: {  	vm0 =	vlt.s32 v11, v7;
	vm1 =	vge.s32 v8, v6  }
0x28c: {  	v6 =	vadd.s32 @p2 v10, v9;
	vm0 =	vmand vm0, vm1  }
0x28d: {  	v5 =	vpsel p2, v6, v5;
	v8 =	vsel vm0, $0x1, v1  }
0x28e: {  	v5 =	vadd.s32 v8, v5  }
.LBB2_74:
.Ltmp36:
0x28f: {  	(pc) =	sbr.rel .LBB2_79-.Ltmp36, $2  }
0x290: {  	_ =	sdelay $0x2  }
0x291: {  	v9 =	vimm.s32 $0x0  }
.LBB2_76:
.Ltmp37:
0x292: {  	(pc) =	sbr.rel .LBB2_79-.Ltmp37, $2  }
0x293: {  	_ =	sdelay $0x2  }
0x294: {  	v9 =	vimm.s32 $0x0;
	s8 =	simm.s32 $0x1  }
.LBB2_54:
0x295: {  	s31 =	rddreg [dreg:$0x7];
	s3 =	simm.s32 $0x0  }
0x296: {  	v5 =	vmov s0;
	s9 =	simm.s32 $0x3;
	s21 =	simm.s32 $0x4;
	s0 =	sor.u32 s4, s31  }
.LBB2_55:
0x297: {  	_ =	swait.ge [sflag:s16], $0x4980  }
0x298: {  	s2 =	simm.s32 $0x0;
	[sflag:s16] =	ssyncset.done $0x0  }
0x299: {  	s5 =	simm.s32 $0x0;
	s10 =	simm.s32 $0x0;
	[sflag:s16] =	ssyncadd.s32 $0xFFFFB680  }
.LBB2_56:
0x29a: {  	s1 =	sshll.u32 s5, $0x2;
	s4 =	sand.u32 $0x7, s2  }
0x29b: {  	s1 =	sand.u32 $0xFFFFFE00, s1;
	s4 =	sshll.u32 s4, $0x6  }
0x29c: {  	s1 =	sor.u32 s4, s1  }
0x29d: {  	s31 =	sshll.u32 s10, $0x4;
	s1 =	sshrl.u32 s1, $0x2  }
0x29e: {  	v9 =	vld [tilespmem:s31+$0x1E300];
	s12 =	sadd.s32 $0x480, s1  }
0x29f: {  	v19 =	vld [tilespmem:s12+$0x480]  }
0x2a0: {  	v6 =	vld [tilespmem:s12+$0xFFFFFD00]  }
0x2a1: {  	v10 =	vld [tilespmem:s12+$0xFFFFFE80]  }
0x2a2: {  	v7 =	vld [tilespmem:s12+$0x0];
	_ =	sdelay $0x1  }
0x2a3: {  	v11 =	vld [tilespmem:s12+$0x180]  }
0x2a4: {  	v8 =	vld [tilespmem:s12+$0x300];
	v17 =	vmul.f32 v19, v9  }
0x2a5: {  	v12 =	vld [tilespmem:s12+$0xFFFFFB80];
	v14 =	vmul.f32 v6, v9;
	v13 =	vmul.f32 v10, v9  }
0x2a6: {  	v15 =	vmul.f32 v7, v9  }
0x2a7: {  	v16 =	vshra.s32 v17, $0x1F;
	v20 =	vshra.s32 v14, $0x1F;
	v21 =	vshra.s32 v13, $0x1F  }
0x2a8: {  	v25 =	vshra.s32 v15, $0x1F;
	v18 =	vand.u32 $0x7FFFFFFF, v16;
	v16 =	vmul.f32 v11, v9  }
0x2a9: {  	v22 =	vand.u32 $0x7FFFFFFF, v20;
	v18 =	vxor.u32 v17, v18;
	v17 =	vmul.f32 v8, v9  }
0x2aa: {  	vm0 =	vlt.s32 v18, v5;
	v18 =	vmul.f32 v12, v9;
	v26 =	vshra.s32 v16, $0x1F  }
0x2ab: {  	v24 =	vsel vm0, $0x0, v19;
	v19 =	vand.u32 $0x7FFFFFFF, v21;
	v23 =	vshra.s32 v17, $0x1F  }
0x2ac: {  	s7 =	simm.s32 $0x0;
	s8 =	sadd.s32 $0xA80, s12;
	v21 =	vand.u32 $0x7FFFFFFF, v25;
	v20 =	vand.u32 $0x7FFFFFFF, v26;
	[tilespmem:s12+$0x480] =	vst v24;
	v24 =	vshra.s32 v18, $0x1F  }
.LBB2_57:
0x2ad: {  	v25 =	vld [tilespmem:s8+$0x480];
	s7 =	sadd.s32 $0x7, s7;
	v24 =	vand.u32 $0x7FFFFFFF, v24;
	v14 =	vxor.u32 v14, v22;
	v22 =	vand.u32 $0x7FFFFFFF, v23  }
0x2ae: {  	v13 =	vxor.u32 v13, v19;
	v15 =	vxor.u32 v15, v21;
	v23 =	vld [tilespmem:s8+$0xFFFFFD00];
	p1 =	slt.u32 s7, $0x2A;
	v18 =	vxor.u32 v18, v24  }
0x2af: {  	v16 =	vxor.u32 v16, v20;
	v17 =	vxor.u32 v17, v22;
	v19 =	vld [tilespmem:s8+$0xFFFFFE80];
	vm0 =	vlt.s32 v18, v5  }
0x2b0: {  	vm1 =	vlt.s32 v14, v5;
	vm2 =	vlt.s32 v13, v5;
	vm3 =	vlt.s32 v15, v5;
	v18 =	vld [tilespmem:s8+$0x0]  }
0x2b1: {  	vm4 =	vlt.s32 v17, v5;
	v12 =	vsel vm0, $0x0, v12;
	vm0 =	vlt.s32 v16, v5;
	v20 =	vld [tilespmem:s8+$0x180]  }
0x2b2: {  	v13 =	vsel vm1, $0x0, v6;
	v15 =	vsel vm2, $0x0, v10;
	v21 =	vld [tilespmem:s8+$0x300];
	v17 =	vmul.f32 v25, v9;
	[tilespmem:s12+$0xFFFFFB80] =	vst v12  }
0x2b3: {  	v24 =	vsel vm3, $0x0, v7;
	v11 =	vsel vm0, $0x0, v11;
	v12 =	vld [tilespmem:s8+$0xFFFFFB80];
	v14 =	vmul.f32 v23, v9;
	[tilespmem:s12+$0xFFFFFD00] =	vst v13;
	v6 =	vmovc v23  }
0x2b4: {  	v8 =	vsel vm4, $0x0, v8;
	v13 =	vmul.f32 v19, v9;
	v16 =	vshra.s32 v17, $0x1F;
	[tilespmem:s12+$0xFFFFFE80] =	vst v15;
	v10 =	vmovc v19  }
0x2b5: {  	v19 =	vshra.s32 v14, $0x1F;
	v15 =	vmul.f32 v18, v9;
	v22 =	vand.u32 $0x7FFFFFFF, v16;
	[tilespmem:s12+$0x0] =	vst v24;
	v7 =	vmovc v18  }
.Ltmp38:
0x2b6: {  	v23 =	vshra.s32 v13, $0x1F;
	v16 =	vmul.f32 v20, v9;
	v18 =	vxor.u32 v17, v22;
	[tilespmem:s12+$0x180] =	vst v11;
	v11 =	vmovc v20;
	(pc) =	sbr.rel @p1 .LBB2_57-.Ltmp38, $4  }
0x2b7: {  	v20 =	vshra.s32 v15, $0x1F;
	v17 =	vmul.f32 v21, v9;
	vm0 =	vlt.s32 v18, v5;
	[tilespmem:s12+$0x300] =	vst v8;
	v8 =	vmovc v21;
	s12 =	smov.u32 s8  }
0x2b8: {  	v18 =	vmul.f32 v12, v9;
	v26 =	vshra.s32 v16, $0x1F;
	v21 =	vsel vm0, $0x0, v25  }
0x2b9: {  	v22 =	vand.u32 $0x7FFFFFFF, v19;
	v19 =	vand.u32 $0x7FFFFFFF, v23;
	v23 =	vshra.s32 v17, $0x1F;
	[tilespmem:s8+$0x480] =	vst v21  }
0x2ba: {  	v21 =	vand.u32 $0x7FFFFFFF, v20;
	v20 =	vand.u32 $0x7FFFFFFF, v26;
	s8 =	sadd.s32 $0xA80, s8;
	v24 =	vshra.s32 v18, $0x1F  }
0x2bb: {  	v9 =	vand.u32 $0x7FFFFFFF, v24;
	v14 =	vxor.u32 v14, v22  }
0x2bc: {  	v60 =	vand.u32 $0x7FFFFFFF, v23;
	v61 =	vxor.u32 v13, v19;
	vm1 =	vlt.s32 v14, v5  }
0x2bd: {  	v62 =	vxor.u32 v15, v21;
	s10 =	sadd.s32 $0x1, s10;
	vm12 =	vlt.s32 v61, v5;
	v6 =	vsel vm1, $0x0, v6  }
0x2be: {  	v9 =	vxor.u32 v18, v9;
	vm13 =	vlt.s32 v62, v5;
	p1 =	sne.s32 s10, $0x18;
	v10 =	vsel vm12, $0x0, v10;
	[tilespmem:s12+$0xFFFFFD00] =	vst v6  }
.Ltmp39:
0x2bf: {  	v63 =	vxor.u32 v16, v20;
	vm0 =	vlt.s32 v9, v5;
	v7 =	vsel vm13, $0x0, v7;
	[tilespmem:s12+$0xFFFFFE80] =	vst v10;
	(pc) =	sbr.rel @p1 .LBB2_56-.Ltmp39, $4  }
0x2c0: {  	vm14 =	vlt.s32 v63, v5;
	v12 =	vsel vm0, $0x0, v12;
	v6 =	vxor.u32 v17, v60;
	[tilespmem:s12+$0x0] =	vst v7  }
0x2c1: {  	[tilespmem:s12+$0xFFFFFB80] =	vst v12;
	vm15 =	vlt.s32 v6, v5;
	v6 =	vsel vm14, $0x0, v11  }
0x2c2: {  	v7 =	vsel vm15, $0x0, v8;
	[tilespmem:s12+$0x180] =	vst v6  }
0x2c3: {  	s5 =	sadd.s32 $0x10, s5;
	s2 =	sadd.s32 $0x1, s2;
	[tilespmem:s12+$0x300] =	vst v7  }
0x2c4: {  	s2 =	smul.u32 $0x24C000, s3;
	_ =	sdelay $0x1  }
0x2c5: {  	s1 =	sadd.s32 s22, s2  }
0x2c6: {  	s1 =	sshrl.u32 s1, $0x3  }
0x2c7: {  	s5 =	sadd.s32 s20, s1  }
0x2c8: {  	s6 =	simm.s32 $0x600;
	s8 =	simm.s32 $0x0;
	s7 =	sadd.s32 $0xC00, s5  }
.LBB2_60:
0x2c9: {  	[hbm4b:s5+s14] =	stream.strided.scatter [tilespmem:s8], [sflag:$0x3], $0x180, s15, s14, $0x38;
	[tilespmem:$0x1E600] =	vst v63  }
0x2ca: {  	s1 =	smov.u32 s6;
	s5 =	smov.u32 s7;
	p1 =	sne.s32 s6, $0x12000  }
.Ltmp40:
0x2cb: {  	s6 =	sadd.s32 $0x600, s6;
	(pc) =	sbr.rel @p1 .LBB2_60-.Ltmp40, $2  }
0x2cc: {  	_ =	sdelay $0x2  }
0x2cd: {  	s7 =	sadd.s32 $0xC00, s7;
	s8 =	sshra.s32 s1, $0x2  }
0x2ce: {  	[hbm4b:s5+s14] =	stream.strided.scatter [tilespmem:s8], [sflag:$0x3], $0x180, s15, s14, $0x38;
	[tilespmem:$0x1E600] =	vst v63  }
0x2cf: {  	_ =	swait.ge [sflag:s18], $0x4980  }
0x2d0: {  	s5 =	simm.s32 $0x0;
	[sflag:s18] =	ssyncset.done $0x0  }
0x2d1: {  	s10 =	simm.s32 $0x0;
	s12 =	simm.s32 $0x0;
	[sflag:s18] =	ssyncadd.s32 $0xFFFFB680  }
.LBB2_62:
0x2d2: {  	s1 =	sshll.u32 s10, $0x2;
	s4 =	sand.u32 $0x7, s5  }
0x2d3: {  	s1 =	sand.u32 $0xFFFFFE00, s1;
	s4 =	sshll.u32 s4, $0x6  }
0x2d4: {  	s1 =	sor.u32 s4, s1  }
0x2d5: {  	s31 =	sshll.u32 s12, $0x4;
	s1 =	sshrl.u32 s1, $0x2  }
0x2d6: {  	v9 =	vld [tilespmem:s31+$0x1E300];
	s13 =	sadd.s32 $0x4E00, s1  }
0x2d7: {  	v19 =	vld [tilespmem:s13+$0x480]  }
0x2d8: {  	v6 =	vld [tilespmem:s13+$0xFFFFFD00]  }
0x2d9: {  	v10 =	vld [tilespmem:s13+$0xFFFFFE80]  }
0x2da: {  	v7 =	vld [tilespmem:s13+$0x0];
	_ =	sdelay $0x1  }
0x2db: {  	v11 =	vld [tilespmem:s13+$0x180]  }
0x2dc: {  	v8 =	vld [tilespmem:s13+$0x300];
	v17 =	vmul.f32 v19, v9  }
0x2dd: {  	v12 =	vld [tilespmem:s13+$0xFFFFFB80];
	v14 =	vmul.f32 v6, v9;
	v13 =	vmul.f32 v10, v9  }
0x2de: {  	v15 =	vmul.f32 v7, v9  }
0x2df: {  	v16 =	vshra.s32 v17, $0x1F;
	v20 =	vshra.s32 v14, $0x1F;
	v21 =	vshra.s32 v13, $0x1F  }
0x2e0: {  	v25 =	vshra.s32 v15, $0x1F;
	v18 =	vand.u32 $0x7FFFFFFF, v16;
	v16 =	vmul.f32 v11, v9  }
0x2e1: {  	v22 =	vand.u32 $0x7FFFFFFF, v20;
	v18 =	vxor.u32 v17, v18;
	v17 =	vmul.f32 v8, v9  }
0x2e2: {  	vm0 =	vlt.s32 v18, v5;
	v18 =	vmul.f32 v12, v9;
	v26 =	vshra.s32 v16, $0x1F  }
0x2e3: {  	v24 =	vsel vm0, $0x0, v19;
	v19 =	vand.u32 $0x7FFFFFFF, v21;
	v23 =	vshra.s32 v17, $0x1F  }
0x2e4: {  	s7 =	simm.s32 $0x0;
	s8 =	sadd.s32 $0xA80, s13;
	v21 =	vand.u32 $0x7FFFFFFF, v25;
	v20 =	vand.u32 $0x7FFFFFFF, v26;
	[tilespmem:s13+$0x480] =	vst v24;
	v24 =	vshra.s32 v18, $0x1F  }
.LBB2_63:
0x2e5: {  	v25 =	vld [tilespmem:s8+$0x480];
	s7 =	sadd.s32 $0x7, s7;
	v24 =	vand.u32 $0x7FFFFFFF, v24;
	v14 =	vxor.u32 v14, v22;
	v22 =	vand.u32 $0x7FFFFFFF, v23  }
0x2e6: {  	v13 =	vxor.u32 v13, v19;
	v15 =	vxor.u32 v15, v21;
	v23 =	vld [tilespmem:s8+$0xFFFFFD00];
	p1 =	slt.u32 s7, $0x2A;
	v18 =	vxor.u32 v18, v24  }
0x2e7: {  	v16 =	vxor.u32 v16, v20;
	v17 =	vxor.u32 v17, v22;
	v19 =	vld [tilespmem:s8+$0xFFFFFE80];
	vm0 =	vlt.s32 v18, v5  }
0x2e8: {  	vm1 =	vlt.s32 v14, v5;
	vm2 =	vlt.s32 v13, v5;
	vm3 =	vlt.s32 v15, v5;
	v18 =	vld [tilespmem:s8+$0x0]  }
0x2e9: {  	vm4 =	vlt.s32 v17, v5;
	v12 =	vsel vm0, $0x0, v12;
	vm0 =	vlt.s32 v16, v5;
	v20 =	vld [tilespmem:s8+$0x180]  }
0x2ea: {  	v13 =	vsel vm1, $0x0, v6;
	v15 =	vsel vm2, $0x0, v10;
	v21 =	vld [tilespmem:s8+$0x300];
	v17 =	vmul.f32 v25, v9;
	[tilespmem:s13+$0xFFFFFB80] =	vst v12  }
0x2eb: {  	v24 =	vsel vm3, $0x0, v7;
	v11 =	vsel vm0, $0x0, v11;
	v12 =	vld [tilespmem:s8+$0xFFFFFB80];
	v14 =	vmul.f32 v23, v9;
	[tilespmem:s13+$0xFFFFFD00] =	vst v13;
	v6 =	vmovc v23  }
0x2ec: {  	v8 =	vsel vm4, $0x0, v8;
	v13 =	vmul.f32 v19, v9;
	v16 =	vshra.s32 v17, $0x1F;
	[tilespmem:s13+$0xFFFFFE80] =	vst v15;
	v10 =	vmovc v19  }
0x2ed: {  	v19 =	vshra.s32 v14, $0x1F;
	v15 =	vmul.f32 v18, v9;
	v22 =	vand.u32 $0x7FFFFFFF, v16;
	[tilespmem:s13+$0x0] =	vst v24;
	v7 =	vmovc v18  }
.Ltmp41:
0x2ee: {  	v23 =	vshra.s32 v13, $0x1F;
	v16 =	vmul.f32 v20, v9;
	v18 =	vxor.u32 v17, v22;
	[tilespmem:s13+$0x180] =	vst v11;
	v11 =	vmovc v20;
	(pc) =	sbr.rel @p1 .LBB2_63-.Ltmp41, $4  }
0x2ef: {  	v20 =	vshra.s32 v15, $0x1F;
	v17 =	vmul.f32 v21, v9;
	vm0 =	vlt.s32 v18, v5;
	[tilespmem:s13+$0x300] =	vst v8;
	v8 =	vmovc v21;
	s13 =	smov.u32 s8  }
0x2f0: {  	v18 =	vmul.f32 v12, v9;
	v26 =	vshra.s32 v16, $0x1F;
	v21 =	vsel vm0, $0x0, v25  }
0x2f1: {  	v22 =	vand.u32 $0x7FFFFFFF, v19;
	v19 =	vand.u32 $0x7FFFFFFF, v23;
	v23 =	vshra.s32 v17, $0x1F;
	[tilespmem:s8+$0x480] =	vst v21  }
0x2f2: {  	v21 =	vand.u32 $0x7FFFFFFF, v20;
	v20 =	vand.u32 $0x7FFFFFFF, v26;
	s8 =	sadd.s32 $0xA80, s8;
	v24 =	vshra.s32 v18, $0x1F  }
0x2f3: {  	v9 =	vand.u32 $0x7FFFFFFF, v24;
	v14 =	vxor.u32 v14, v22  }
0x2f4: {  	v60 =	vand.u32 $0x7FFFFFFF, v23;
	v61 =	vxor.u32 v13, v19;
	vm1 =	vlt.s32 v14, v5  }
0x2f5: {  	v62 =	vxor.u32 v15, v21;
	s12 =	sadd.s32 $0x1, s12;
	vm12 =	vlt.s32 v61, v5;
	v6 =	vsel vm1, $0x0, v6  }
0x2f6: {  	v9 =	vxor.u32 v18, v9;
	vm13 =	vlt.s32 v62, v5;
	p1 =	sne.s32 s12, $0x18;
	v10 =	vsel vm12, $0x0, v10;
	[tilespmem:s13+$0xFFFFFD00] =	vst v6  }
.Ltmp42:
0x2f7: {  	v63 =	vxor.u32 v16, v20;
	vm0 =	vlt.s32 v9, v5;
	v7 =	vsel vm13, $0x0, v7;
	[tilespmem:s13+$0xFFFFFE80] =	vst v10;
	(pc) =	sbr.rel @p1 .LBB2_62-.Ltmp42, $4  }
0x2f8: {  	vm14 =	vlt.s32 v63, v5;
	v12 =	vsel vm0, $0x0, v12;
	v6 =	vxor.u32 v17, v60;
	[tilespmem:s13+$0x0] =	vst v7  }
0x2f9: {  	[tilespmem:s13+$0xFFFFFB80] =	vst v12;
	vm15 =	vlt.s32 v6, v5;
	v6 =	vsel vm14, $0x0, v11  }
0x2fa: {  	v7 =	vsel vm15, $0x0, v8;
	[tilespmem:s13+$0x180] =	vst v6  }
0x2fb: {  	s10 =	sadd.s32 $0x10, s10;
	s5 =	sadd.s32 $0x1, s5;
	[tilespmem:s13+$0x300] =	vst v7  }
0x2fc: {  	s1 =	sadd.s32 s2, s25  }
0x2fd: {  	s1 =	sshrl.u32 s1, $0x3  }
0x2fe: {  	s31 =	simm.s32 $0x4980;
	s6 =	simm.s32 $0x600;
	s5 =	sadd.s32 s20, s1  }
0x2ff: {  	[hbm4b:s5+s14] =	stream.strided.scatter [tilespmem:s31], [sflag:$0x4], $0x180, s15, s14, $0x38;
	[tilespmem:$0x1E600] =	vst v63  }
.LBB2_66:
0x300: {  	p1 =	sne.s32 s6, $0x12000  }
.Ltmp43:
0x301: {  	_ = 	snop;
	(pc) =	sbr.rel @p1 .LBB2_66-.Ltmp43, $4  }
0x302: {  	_ = 	snop  }
0x303: {  	s1 =	sshra.s32 s6, $0x2;
	s6 =	sadd.s32 $0x600, s6  }
0x304: {  	s5 =	sadd.s32 $0xC00, s5;
	s1 =	sadd.s32 $0x4980, s1  }
0x305: {  	[hbm4b:s5+s14] =	stream.strided.scatter [tilespmem:s1], [sflag:$0x4], $0x180, s15, s14, $0x38;
	[tilespmem:$0x1E600] =	vst v63  }
0x306: {  	p1 =	seq.s32 s3, $0x7  }
.Ltmp44:
0x307: {  	_ = 	snop;
	(pc) =	sbr.rel @p1 .LBB2_80-.Ltmp44, $4  }
0x308: {  	_ = 	snop  }
0x309: {  	_ =	swait.ge [sflag:s9], $0x4980  }
0x30a: {  	[sflag:s9] =	ssyncset.done $0x0  }
0x30b: {  	[sflag:s9] =	ssyncadd.s32 $0xFFFFB680  }
0x30c: {  	s1 =	sadd.s32 s2, s24  }
0x30d: {  	s1 =	sshrl.u32 s1, $0x3  }
0x30e: {  	s5 =	sadd.s32 s11, s1  }
0x30f: {  	s6 =	simm.s32 $0x600;
	s8 =	simm.s32 $0x0;
	s7 =	sadd.s32 $0xC00, s5  }
.LBB2_69:
0x310: {  	[tilespmem:s8], [sflag:$0x1] =	stream.strided.gather [hbm4b:s5+s14], $0x180, s15, s14, $0x38;
	[tilespmem:$0x1E600] =	vst v63  }
0x311: {  	s1 =	smov.u32 s6;
	s5 =	smov.u32 s7;
	p1 =	sne.s32 s6, $0x12000  }
.Ltmp45:
0x312: {  	s6 =	sadd.s32 $0x600, s6;
	(pc) =	sbr.rel @p1 .LBB2_69-.Ltmp45, $2  }
0x313: {  	_ =	sdelay $0x2  }
0x314: {  	s7 =	sadd.s32 $0xC00, s7;
	s8 =	sshra.s32 s1, $0x2  }
0x315: {  	[tilespmem:s8], [sflag:$0x1] =	stream.strided.gather [hbm4b:s5+s14], $0x180, s15, s14, $0x38;
	[tilespmem:$0x1E600] =	vst v63  }
0x316: {  	s1 =	sadd.s32 s2, s0;
	_ =	swait.ge [sflag:s21], $0x4980  }
0x317: {  	s31 =	simm.s32 $0x4980;
	s1 =	sshrl.u32 s1, $0x3;
	[sflag:s21] =	ssyncset.done $0x0  }
0x318: {  	s5 =	simm.s32 $0x600;
	s2 =	sadd.s32 s11, s1;
	[sflag:s21] =	ssyncadd.s32 $0xFFFFB680  }
0x319: {  	[tilespmem:s31], [sflag:$0x2] =	stream.strided.gather [hbm4b:s2+s14], $0x180, s15, s14, $0x38;
	[tilespmem:$0x1E600] =	vst v63  }
.LBB2_71:
0x31a: {  	p1 =	sne.s32 s5, $0x12000  }
.Ltmp46:
0x31b: {  	_ = 	snop;
	(pc) =	sbr.rel @p1 .LBB2_71-.Ltmp46, $4  }
0x31c: {  	_ = 	snop  }
0x31d: {  	s1 =	sshra.s32 s5, $0x2;
	s5 =	sadd.s32 $0x600, s5  }
0x31e: {  	s2 =	sadd.s32 $0xC00, s2;
	s1 =	sadd.s32 $0x4980, s1  }
0x31f: {  	[tilespmem:s1], [sflag:$0x2] =	stream.strided.gather [hbm4b:s2+s14], $0x180, s15, s14, $0x38;
	[tilespmem:$0x1E600] =	vst v63  }
.Ltmp47:
0x320: {  	(pc) =	sbr.rel .LBB2_55-.Ltmp47, $2  }
0x321: {  	_ =	sdelay $0x2  }
0x322: {  	s3 =	sadd.s32 $0x1, s3  }
.LBB2_82:
0x323: {  	_ =	sfence.sel $0x180000  }
0x324: {  	[bflag:$0x0] =	sbarrier.arrive $0xFFFF  }
0x325: {  	_ =	strace $0x90000047  }
0x326: {  	s0 =	stileid.u32;
	[bflag:$0x2] =	sbarrier.arrive $0xFFFF  }
0x327: {  	p0 =	sne.s32 s0, $0x0;
	s0 =	rddreg [dreg:$0x3]  }
0x328: {  	s0 =	sadd.s32 @!p0 $0x100000, s0  }
0x329: {  	[sflag:s0] =	ssyncadd.tile.s32 @!p0 $0x1;
	_ =	shalt  }
.Lfunc_end2:
_tile_overlayer_lowered:
.L_overlay_start_2:
0x32a: {  	(tag) =	ssettag $0x2  }
0x32b: {  	s0 =	rddreg [dreg:$0x0];
	s2 =	stileid.u32  }
0x32c: {  	s1 =	rddreg [dreg:$0x1];
	p0 =	sne.s32 s2, $0x0  }
0x32d: {  	s3 =	rddreg [dreg:$0x2];
	[bflag:$0x3] =	sbarrier.arrive $0xFFFF;
	s2 =	simm.s32 @!p0 $0x1C05  }
0x32e: {  	[timem:s3], [sflag:s2] =	dma.local @!p0 [hbm:s0], s1  }
0x32f: {  	s0 =	simm.s32 @!p0 $0x5  }
0x330: {  	_ =	swait.ge @!p0 [sflag:s0], s1  }
0x331: {  	s1 =	ssub.s32 @!p0 $0x0, s1;
	[sflag:s0] =	ssyncset.done @!p0 $0x0  }
0x332: {  	[sflag:s0] =	ssyncadd.s32 @!p0 s1  }
0x333: {  	[bflag:$0x3] =	sbarrier.arrive $0xFFFF  }
0x334: {  	_ =	shalt  }

</sc_bundles>
